<compile_context>
chip_gen: v7x
topology: tpu7x:2x2x1
jax: 0.10.2.dev20260603
libtpu: 0.0.44.dev20260713+nightly
codegen_flags: <defaults>
</compile_context>

<pallas_src>
import jax
import jax.numpy as jnp
from jax import lax
from jax.experimental import pallas as pl
from jax.experimental.pallas import tpu as pltpu
from jax.experimental.pallas import tpu_sc as plsc

N = 10000
E = 320000
NB = 64
HL = 8
NS_SC = 16
NSLAB = E // 128
ES = -(-NSLAB // NS_SC)
NVREG = N // 16
SL_PER_T = -(-NVREG // NS_SC)


def _prep_body(x0_ref, x1_ref, w_ref, att_ref, ei0_ref, ei1_ref,
               nv_ref, es_ref):
    rows = []
    for gi, x_ref in ((0, x0_ref), (1, x1_ref)):
        wv = jnp.dot(w_ref[gi], att_ref[gi],
                     preferred_element_type=jnp.float32)
        res = lax.dot_general(wv, x_ref[...], (((0,), (1,)), ((), ())),
                              preferred_element_type=jnp.float32)
        rows.append(res)
    rows.append(jnp.zeros((2, N), jnp.float32))
    nv_ref[...] = jnp.concatenate(rows, axis=0)
    es_ref[0] = ei0_ref[...]
    es_ref[1] = ei1_ref[...]


def _prep(x0, x1, W, att, ei0, ei1):
    return pl.pallas_call(
        _prep_body,
        out_shape=[jax.ShapeDtypeStruct((8, N), jnp.float32),
                   jax.ShapeDtypeStruct((2, 2, E), jnp.int32)],
    )(x0, x1, W, att, ei0, ei1)


def _edge_body(nv_hbm, es_hbm, out_hbm,
               as_v, ad_v, g_v, den_v, num_v, sd_v,
               sem_in, sem_e, sem_out):
    gi = lax.axis_index("c")
    t = lax.axis_index("s")
    zeros16 = jnp.zeros((16,), jnp.float32)

    lo = (t * NSLAB) // NS_SC
    hi = ((t + 1) * NSLAB) // NS_SC
    nvr = (hi - lo) * 8

    in_descs = [
        pltpu.async_copy(nv_hbm.at[3 * gi + 0], as_v, sem_in),
        pltpu.async_copy(nv_hbm.at[3 * gi + 1], ad_v, sem_in),
        pltpu.async_copy(nv_hbm.at[3 * gi + 2], g_v, sem_in),
    ]
    esl = pl.ds(lo * 128, ES * 128)
    de = pltpu.async_copy(es_hbm.at[gi, :, esl], sd_v, sem_e)

    @plsc.parallel_loop(0, NVREG, unroll=25)
    def _zero(i):
        sl = pl.ds(i * 16, 16)
        den_v[sl] = zeros16
        num_v[sl] = zeros16

    for d in in_descs:
        d.wait()
    de.wait()

    def _self(k, _):
        v = t + k * NS_SC

        @pl.when(v < NVREG)
        def _():
            sl = pl.ds(v * 16, 16)
            s = as_v[sl] + ad_v[sl]
            ex = jnp.exp(jnp.maximum(s, 0.2 * s))
            den_v[sl] = den_v[sl] + ex
            num_v[sl] = num_v[sl] + ex * g_v[sl]
        return 0
    lax.fori_loop(0, SL_PER_T, _self, 0)

    @plsc.parallel_loop(0, nvr, unroll=8)
    def _edges(k):
        sl = pl.ds(k * 16, 16)
        isrc = sd_v[0, sl]
        idst = sd_v[1, sl]
        s = (plsc.load_gather(as_v, [isrc])
             + plsc.load_gather(ad_v, [idst]))
        ex = jnp.exp(jnp.maximum(s, 0.2 * s))
        gs = plsc.load_gather(g_v, [isrc])
        plsc.addupdate_scatter(den_v, [idst], ex)
        plsc.addupdate_scatter(num_v, [idst], ex * gs)

    d0 = pltpu.async_copy(den_v, out_hbm.at[gi, t, 0], sem_out)
    d1 = pltpu.async_copy(num_v, out_hbm.at[gi, t, 1], sem_out)
    d0.wait()
    d1.wait()


def _edge_phase(nv, estack):
    mesh = plsc.VectorSubcoreMesh(core_axis_name="c", subcore_axis_name="s")
    fn = pl.kernel(
        _edge_body,
        out_type=jax.ShapeDtypeStruct((2, NS_SC, 2, N), jnp.float32),
        mesh=mesh,
        compiler_params=pltpu.CompilerParams(needs_layout_passes=False),
        scratch_types=[
            pltpu.VMEM((N,), jnp.float32),
            pltpu.VMEM((N,), jnp.float32),
            pltpu.VMEM((N,), jnp.float32),
            pltpu.VMEM((N,), jnp.float32),
            pltpu.VMEM((N,), jnp.float32),
            pltpu.VMEM((2, ES * 128), jnp.int32),
            pltpu.SemaphoreType.DMA,
            pltpu.SemaphoreType.DMA,
            pltpu.SemaphoreType.DMA,
        ],
    )
    return fn(nv, estack)


def _onehot_body(b0_ref, b1_ref, oh_ref, cnt_ref):
    for gi, b_ref in ((0, b0_ref), (1, b1_ref)):
        oh = (lax.broadcasted_iota(jnp.int32, (NB, N), 0)
              == b_ref[...]).astype(jnp.float32)
        cnt_ref[gi] = jnp.sum(oh, axis=1)
        oh_ref[gi] = oh.astype(jnp.bfloat16)


def _onehot(b0, b1):
    return pl.pallas_call(
        _onehot_body,
        out_shape=[jax.ShapeDtypeStruct((2, NB, N), jnp.bfloat16),
                   jax.ShapeDtypeStruct((2, NB), jnp.float32)],
    )(b0, b1)


def _head_body(part_ref, oh_ref, cnt_ref, gb_ref, pw_ref, pb_ref,
               w0_ref, b0w_ref, hw_ref, hb_ref, ow_ref, ob_ref, out_ref):
    pooled_cols = []
    for gi in (0, 1):
        den = jnp.sum(part_ref[gi, :, 0, :], axis=0)
        num = jnp.sum(part_ref[gi, :, 1, :], axis=0)
        cg = (jnp.sum(gb_ref[gi] * pw_ref[gi, :, 0]) + pb_ref[gi, 0])
        v = num / jnp.where(den == 0.0, 1.0, den) + cg
        oh = oh_ref[gi][...].astype(jnp.float32)
        r = jnp.dot(oh, v[:, None], preferred_element_type=jnp.float32)
        pooled_cols.append(r[:, 0] / jnp.maximum(cnt_ref[gi], 1.0))
    pooled = jnp.stack(pooled_cols, axis=1)

    h = pooled @ w0_ref[...] + b0w_ref[...]
    h = jnp.where(h >= 0, h, 0.01 * h)
    for j in range(HL):
        h = h @ hw_ref[j] + hb_ref[j][None, :]
        h = jnp.where(h >= 0, h, 0.01 * h)
    out_ref[...] = h @ ow_ref[...] + ob_ref[...]


def _head(part, oh, cnt, gat_bias, post_W, post_b,
          pool_W0, pool_b0, hid_W, hid_b, out_W, out_b):
    return pl.pallas_call(
        _head_body,
        out_shape=jax.ShapeDtypeStruct((NB, 2), jnp.float32),
    )(part, oh, cnt, gat_bias, post_W, post_b,
      pool_W0, pool_b0, hid_W, hid_b, out_W, out_b)


def kernel(x0, x1, edge_index0, edge_index1, batch0, batch1, ptr0, ptr1,
           W, att_src, att_dst, gat_bias, post_W, post_b, pool_W0, pool_b0,
           hid_W, hid_b, out_W, out_b):
    del ptr0, ptr1
    att = jnp.stack([att_src, att_dst, post_W[:, :, 0]], axis=-1)
    nv, estack = _prep(x0, x1, W, att, edge_index0, edge_index1)
    part = _edge_phase(nv, estack)
    oh, cnt = _onehot(batch0.astype(jnp.int32).reshape(1, N),
                      batch1.astype(jnp.int32).reshape(1, N))
    return _head(part, oh, cnt, gat_bias, post_W, post_b,
                 pool_W0, pool_b0.reshape(1, -1),
                 hid_W, hid_b, out_W, out_b.reshape(1, -1))

# --- scband reference (transcript-rebuilt; emitter-appended) ---
"""Pipeline reference for scband-graph-net-12807592477363 (READ-ONLY COPY).

The authoritative reference and input builder live on the scoring server;
editing this copy changes nothing except your own understanding.
"""

import jax, jax.numpy as jnp
import numpy as np

N = 10000; E = 320000; D = 128; HID = 16; NB = 64; HL = 8; NC = 2

def setup_inputs(seed: int = 0):
    key = jax.random.key(seed)
    ks = jax.random.split(key, 16)
    s = 0.1
    inp = {}
    inp["x0"] = jax.random.normal(ks[0], (N, D), jnp.float32)
    inp["x1"] = jax.random.normal(ks[1], (N, D), jnp.float32)
    inp["edge_index0"] = jax.random.randint(ks[2], (2, E), 0, N)
    inp["edge_index1"] = jax.random.randint(ks[3], (2, E), 0, N)
    inp["batch0"] = jnp.sort(jax.random.randint(ks[4], (N,), 0, NB))
    inp["batch1"] = jnp.sort(jax.random.randint(ks[5], (N,), 0, NB))
    inp["ptr0"] = jnp.sort(jax.random.randint(ks[6], (NB + 1,), 0, N))
    inp["ptr1"] = jnp.sort(jax.random.randint(ks[7], (NB + 1,), 0, N))
    inp["W"] = jax.random.normal(ks[8], (2, D, HID), jnp.float32) * s
    inp["att_src"] = jax.random.normal(ks[9], (2, HID), jnp.float32) * s
    inp["att_dst"] = jax.random.normal(ks[10], (2, HID), jnp.float32) * s
    inp["gat_bias"] = jnp.zeros((2, HID), jnp.float32)
    inp["post_W"] = jax.random.normal(ks[11], (2, HID, 1), jnp.float32) * s
    inp["post_b"] = jnp.zeros((2, 1), jnp.float32)
    inp["pool_W0"] = jax.random.normal(ks[12], (2, HID), jnp.float32) * s
    inp["pool_b0"] = jnp.zeros((HID,), jnp.float32)
    inp["hid_W"] = jax.random.normal(ks[13], (HL, HID, HID), jnp.float32) * s
    inp["hid_b"] = jnp.zeros((HL, HID), jnp.float32)
    inp["out_W"] = jax.random.normal(ks[14], (HID, NC), jnp.float32) * s
    inp["out_b"] = jnp.zeros((NC,), jnp.float32)
    return inp

def _gat(x, edge_index, W, a_src, a_dst, b):
    n = x.shape[0]
    h = x @ W
    loop = jnp.arange(n)
    src = jnp.concatenate([edge_index[0], loop])
    dst = jnp.concatenate([edge_index[1], loop])
    alpha_src = h @ a_src
    alpha_dst = h @ a_dst
    e = jax.nn.leaky_relu(alpha_src[src] + alpha_dst[dst], 0.2)
    emax = jax.ops.segment_max(e, dst, num_segments=n)
    ex = jnp.exp(e - emax[dst])
    denom = jax.ops.segment_sum(ex, dst, num_segments=n)
    alpha = ex / denom[dst]
    out = jax.ops.segment_sum(alpha[:, None] * h[src], dst, num_segments=n)
    return out + b

def _mean_pool(v, batch, nb):
    s = jax.ops.segment_sum(v, batch, num_segments=nb)
    cnt = jax.ops.segment_sum(jnp.ones_like(v), batch, num_segments=nb)
    return s / jnp.maximum(cnt, 1.0)

def reference(x0, x1, edge_index0, edge_index1, batch0, batch1, ptr0, ptr1, W, att_src, att_dst, gat_bias, post_W, post_b, pool_W0, pool_b0, hid_W, hid_b, out_W, out_b):
    nb = ptr0.shape[0] - 1
    xs = [x0, x1]; eis = [edge_index0, edge_index1]; bs = [batch0, batch1]
    pooled = []
    for i in range(2):
        out = _gat(xs[i], eis[i], W[i], att_src[i], att_dst[i], gat_bias[i])
        out = (out @ post_W[i] + post_b[i]).squeeze(-1)
        pooled.append(_mean_pool(out, bs[i], nb))
    pooled = jnp.stack(pooled, axis=0).T
    h = jax.nn.leaky_relu(pooled @ pool_W0 + pool_b0, 0.01)
    for j in range(HL):
        h = jax.nn.leaky_relu(h @ hid_W[j] + hid_b[j], 0.01)
    return h @ out_W + out_b

if __name__ == "__main__":
    import jax
    _d = setup_inputs()
    print(jax.jit(kernel)(*tuple(_d.values())))

</pallas_src>

<mosaic_0001>
#map = affine_map<(d0, d1) -> (0, 0)>
#map1 = affine_map<(d0, d1) -> (0, 0, 0)>
#map2 = affine_map<(d0, d1) -> (0, 0, 0, 0)>
module attributes {stable_mosaic.version = 14 : i64} {
  func.func @_edge_body(%arg0: i32, %arg1: i32, %arg2: memref<8x10000xf32, #tpu.memory_space<hbm>>, %arg3: memref<2x2x320000xi32, #tpu.memory_space<hbm>>, %arg4: memref<2x16x2x10000xf32, #tpu.memory_space<hbm>>, %arg5: memref<10000xf32, #tpu.memory_space<vmem>>, %arg6: memref<10000xf32, #tpu.memory_space<vmem>>, %arg7: memref<10000xf32, #tpu.memory_space<vmem>>, %arg8: memref<10000xf32, #tpu.memory_space<vmem>>, %arg9: memref<10000xf32, #tpu.memory_space<vmem>>, %arg10: memref<2x20096xi32, #tpu.memory_space<vmem>>, %arg11: memref<!tpu.dma_semaphore, #tpu.memory_space<semaphore_mem>>, %arg12: memref<!tpu.dma_semaphore, #tpu.memory_space<semaphore_mem>>, %arg13: memref<!tpu.dma_semaphore, #tpu.memory_space<semaphore_mem>>) attributes {dimension_semantics = [#tpu.dimension_semantics<core_parallel>, #tpu.dimension_semantics<subcore_parallel>], iteration_bounds = array<i64: 2, 16>, scalar_prefetch = 0 : i64, scratch_operands = 9 : i64, tpu.core_type = #tpu.core_type<sc_vector_subcore>, window_params = [{transform_indices = #map}, {transform_indices = #map1}, {transform_indices = #map2}]} {
    %broadcast_in_dim3A = arith.constant 0.000000e+00 : f32
    %broadcast_in_dim3A_0 = vector.broadcast %broadcast_in_dim3A : f32 to vector<16xf32>
    %mul3A = arith.constant 2500 : i32
    %mul3A_1 = arith.muli %arg1, %mul3A : i32
    %jit3A = arith.constant 16 : i32
    %div3A = arith.divsi %mul3A_1, %jit3A : i32
    %sign3A = arith.constant 0 : i32
    %sign3A_2 = arith.cmpi sgt, %mul3A_1, %sign3A : i32
    %sign3A_3 = arith.extui %sign3A_2 : i1 to i32
    %sign3A_4 = arith.constant 0 : i32
    %sign3A_5 = arith.cmpi slt, %mul3A_1, %sign3A_4 : i32
    %sign3A_6 = arith.extui %sign3A_5 : i1 to i32
    %sign3A_7 = arith.subi %sign3A_3, %sign3A_6 : i32
    %sign3A_8 = arith.constant 0 : i32
    %sign3A_9 = arith.cmpi sgt, %jit3A, %sign3A_8 : i32
    %sign3A_10 = arith.extui %sign3A_9 : i1 to i32
    %sign3A_11 = arith.constant 0 : i32
    %sign3A_12 = arith.cmpi slt, %jit3A, %sign3A_11 : i32
    %sign3A_13 = arith.extui %sign3A_12 : i1 to i32
    %sign3A_14 = arith.subi %sign3A_10, %sign3A_13 : i32
    %ne3A = arith.cmpi ne, %sign3A_7, %sign3A_14 : i32
    %rem3A = arith.remsi %mul3A_1, %jit3A : i32
    %ne3A_15 = arith.constant 0 : i32
    %ne3A_16 = arith.cmpi ne, %rem3A, %ne3A_15 : i32
    %and3A = arith.andi %ne3A, %ne3A_16 : i1
    %sub3A = arith.constant 1 : i32
    %sub3A_17 = arith.subi %div3A, %sub3A : i32
    %select_n3A = arith.select %and3A, %sub3A_17, %div3A : i32
    %add3A = arith.constant 1 : i32
    %add3A_18 = arith.addi %arg1, %add3A : i32
    %mul3A_19 = arith.constant 2500 : i32
    %mul3A_20 = arith.muli %add3A_18, %mul3A_19 : i32
    %jit3A_21 = arith.constant 16 : i32
    %div3A_22 = arith.divsi %mul3A_20, %jit3A_21 : i32
    %sign3A_23 = arith.constant 0 : i32
    %sign3A_24 = arith.cmpi sgt, %mul3A_20, %sign3A_23 : i32
    %sign3A_25 = arith.extui %sign3A_24 : i1 to i32
    %sign3A_26 = arith.constant 0 : i32
    %sign3A_27 = arith.cmpi slt, %mul3A_20, %sign3A_26 : i32
    %sign3A_28 = arith.extui %sign3A_27 : i1 to i32
    %sign3A_29 = arith.subi %sign3A_25, %sign3A_28 : i32
    %sign3A_30 = arith.constant 0 : i32
    %sign3A_31 = arith.cmpi sgt, %jit3A_21, %sign3A_30 : i32
    %sign3A_32 = arith.extui %sign3A_31 : i1 to i32
    %sign3A_33 = arith.constant 0 : i32
    %sign3A_34 = arith.cmpi slt, %jit3A_21, %sign3A_33 : i32
    %sign3A_35 = arith.extui %sign3A_34 : i1 to i32
    %sign3A_36 = arith.subi %sign3A_32, %sign3A_35 : i32
    %ne3A_37 = arith.cmpi ne, %sign3A_29, %sign3A_36 : i32
    %rem3A_38 = arith.remsi %mul3A_20, %jit3A_21 : i32
    %ne3A_39 = arith.constant 0 : i32
    %ne3A_40 = arith.cmpi ne, %rem3A_38, %ne3A_39 : i32
    %and3A_41 = arith.andi %ne3A_37, %ne3A_40 : i1
    %sub3A_42 = arith.constant 1 : i32
    %sub3A_43 = arith.subi %div3A_22, %sub3A_42 : i32
    %select_n3A_44 = arith.select %and3A_41, %sub3A_43, %div3A_22 : i32
    %sub3A_45 = arith.subi %select_n3A_44, %select_n3A : i32
    %mul3A_46 = arith.constant 8 : i32
    %mul3A_47 = arith.muli %sub3A_45, %mul3A_46 : i32
    %mul3A_48 = arith.constant 3 : i32
    %mul3A_49 = arith.muli %mul3A_48, %arg0 : i32
    %add3A_50 = arith.constant 0 : i32
    %add3A_51 = arith.addi %mul3A_49, %add3A_50 : i32
    %dma_start3A = arith.constant 0 : i32
    %dma_start3A_52 = tpu.memref_slice %arg2[%add3A_51, %dma_start3A] : memref<8x10000xf32, #tpu.memory_space<hbm>> -> memref<1x10000xf32, #tpu.memory_space<hbm>>
    %dma_start3A_53 = tpu.memref_squeeze %dma_start3A_52 : memref<1x10000xf32, #tpu.memory_space<hbm>> -> memref<10000xf32, #tpu.memory_space<hbm>>
    %dma_start3A_54 = arith.constant 0 : i32
    %dma_start3A_55 = tpu.memref_slice %arg2[%add3A_51, %dma_start3A_54] : memref<8x10000xf32, #tpu.memory_space<hbm>> -> memref<1x10000xf32, #tpu.memory_space<hbm>>
    %dma_start3A_56 = tpu.memref_squeeze %dma_start3A_55 : memref<1x10000xf32, #tpu.memory_space<hbm>> -> memref<10000xf32, #tpu.memory_space<hbm>>
    tpu.enqueue_dma source(%dma_start3A_56 : memref<10000xf32, #tpu.memory_space<hbm>>) target(%arg5 : memref<10000xf32, #tpu.memory_space<vmem>>) target_semaphore(%arg11 : memref<!tpu.dma_semaphore, #tpu.memory_space<semaphore_mem>>)
    %mul3A_57 = arith.constant 3 : i32
    %mul3A_58 = arith.muli %mul3A_57, %arg0 : i32
    %add3A_59 = arith.constant 1 : i32
    %add3A_60 = arith.addi %mul3A_58, %add3A_59 : i32
    %dma_start3A_61 = arith.constant 0 : i32
    %dma_start3A_62 = tpu.memref_slice %arg2[%add3A_60, %dma_start3A_61] : memref<8x10000xf32, #tpu.memory_space<hbm>> -> memref<1x10000xf32, #tpu.memory_space<hbm>>
    %dma_start3A_63 = tpu.memref_squeeze %dma_start3A_62 : memref<1x10000xf32, #tpu.memory_space<hbm>> -> memref<10000xf32, #tpu.memory_space<hbm>>
    %dma_start3A_64 = arith.constant 0 : i32
    %dma_start3A_65 = tpu.memref_slice %arg2[%add3A_60, %dma_start3A_64] : memref<8x10000xf32, #tpu.memory_space<hbm>> -> memref<1x10000xf32, #tpu.memory_space<hbm>>
    %dma_start3A_66 = tpu.memref_squeeze %dma_start3A_65 : memref<1x10000xf32, #tpu.memory_space<hbm>> -> memref<10000xf32, #tpu.memory_space<hbm>>
    tpu.enqueue_dma source(%dma_start3A_66 : memref<10000xf32, #tpu.memory_space<hbm>>) target(%arg6 : memref<10000xf32, #tpu.memory_space<vmem>>) target_semaphore(%arg11 : memref<!tpu.dma_semaphore, #tpu.memory_space<semaphore_mem>>)
    %mul3A_67 = arith.constant 3 : i32
    %mul3A_68 = arith.muli %mul3A_67, %arg0 : i32
    %add3A_69 = arith.constant 2 : i32
    %add3A_70 = arith.addi %mul3A_68, %add3A_69 : i32
    %dma_start3A_71 = arith.constant 0 : i32
    %dma_start3A_72 = tpu.memref_slice %arg2[%add3A_70, %dma_start3A_71] : memref<8x10000xf32, #tpu.memory_space<hbm>> -> memref<1x10000xf32, #tpu.memory_space<hbm>>
    %dma_start3A_73 = tpu.memref_squeeze %dma_start3A_72 : memref<1x10000xf32, #tpu.memory_space<hbm>> -> memref<10000xf32, #tpu.memory_space<hbm>>
    %dma_start3A_74 = arith.constant 0 : i32
    %dma_start3A_75 = tpu.memref_slice %arg2[%add3A_70, %dma_start3A_74] : memref<8x10000xf32, #tpu.memory_space<hbm>> -> memref<1x10000xf32, #tpu.memory_space<hbm>>
    %dma_start3A_76 = tpu.memref_squeeze %dma_start3A_75 : memref<1x10000xf32, #tpu.memory_space<hbm>> -> memref<10000xf32, #tpu.memory_space<hbm>>
    tpu.enqueue_dma source(%dma_start3A_76 : memref<10000xf32, #tpu.memory_space<hbm>>) target(%arg7 : memref<10000xf32, #tpu.memory_space<vmem>>) target_semaphore(%arg11 : memref<!tpu.dma_semaphore, #tpu.memory_space<semaphore_mem>>)
    %mul3A_77 = arith.constant 128 : i32
    %mul3A_78 = arith.muli %select_n3A, %mul3A_77 : i32
    %dma_start3A_79 = arith.constant 0 : i32
    %dma_start3A_80 = tpu.memref_slice %arg3[%arg0, %dma_start3A_79, %mul3A_78] : memref<2x2x320000xi32, #tpu.memory_space<hbm>> -> memref<1x2x20096xi32, #tpu.memory_space<hbm>>
    %dma_start3A_81 = tpu.memref_squeeze %dma_start3A_80 : memref<1x2x20096xi32, #tpu.memory_space<hbm>> -> memref<2x20096xi32, #tpu.memory_space<hbm>>
    %dma_start3A_82 = arith.constant 0 : i32
    %dma_start3A_83 = tpu.memref_slice %arg3[%arg0, %dma_start3A_82, %mul3A_78] : memref<2x2x320000xi32, #tpu.memory_space<hbm>> -> memref<1x2x20096xi32, #tpu.memory_space<hbm>>
    %dma_start3A_84 = tpu.memref_squeeze %dma_start3A_83 : memref<1x2x20096xi32, #tpu.memory_space<hbm>> -> memref<2x20096xi32, #tpu.memory_space<hbm>>
    tpu.enqueue_dma source(%dma_start3A_84 : memref<2x20096xi32, #tpu.memory_space<hbm>>) target(%arg10 : memref<2x20096xi32, #tpu.memory_space<vmem>>) target_semaphore(%arg12 : memref<!tpu.dma_semaphore, #tpu.memory_space<semaphore_mem>>)
    %parallel_loop3A = arith.constant 0 : i32
    %parallel_loop3A_85 = arith.constant 625 : i32
    %parallel_loop3A_86 = arith.constant 1 : i32
    scf.for %parallel_loop3A_146 = %parallel_loop3A to %parallel_loop3A_85 step %parallel_loop3A_86  : i32 {
      %parallel_loop3A_147 = arith.constant 16 : i32
      %parallel_loop3A_148 = arith.muli %parallel_loop3A_146, %parallel_loop3A_147 : i32
      %parallel_loop3A_149 = arith.index_cast %parallel_loop3A_148 : i32 to index
      %parallel_loop3A_150 = tpu.vector_load %arg8[%parallel_loop3A_149] {strides = array<i32>} : memref<10000xf32, #tpu.memory_space<vmem>>, vector<16xf32>,
      tpu.vector_store %arg8[%parallel_loop3A_149], %broadcast_in_dim3A_0 {strides = array<i32>} : memref<10000xf32, #tpu.memory_space<vmem>>, vector<16xf32>,
      %parallel_loop3A_151 = arith.index_cast %parallel_loop3A_148 : i32 to index
      %parallel_loop3A_152 = tpu.vector_load %arg9[%parallel_loop3A_151] {strides = array<i32>} : memref<10000xf32, #tpu.memory_space<vmem>>, vector<16xf32>,
      tpu.vector_store %arg9[%parallel_loop3A_151], %broadcast_in_dim3A_0 {strides = array<i32>} : memref<10000xf32, #tpu.memory_space<vmem>>, vector<16xf32>,
    } {sc.loop_unroll_factor = 25 : i64, sc.parallel_access}
    %dma_wait3A = arith.constant 0 : i32
    %dma_wait3A_87 = tpu.memref_slice %arg2[%add3A_51, %dma_wait3A] : memref<8x10000xf32, #tpu.memory_space<hbm>> -> memref<1x10000xf32, #tpu.memory_space<hbm>>
    %dma_wait3A_88 = tpu.memref_squeeze %dma_wait3A_87 : memref<1x10000xf32, #tpu.memory_space<hbm>> -> memref<10000xf32, #tpu.memory_space<hbm>>
    %dma_wait3A_89 = arith.constant 0 : i32
    %dma_wait3A_90 = tpu.memref_slice %arg2[%add3A_51, %dma_wait3A_89] : memref<8x10000xf32, #tpu.memory_space<hbm>> -> memref<1x10000xf32, #tpu.memory_space<hbm>>
    %dma_wait3A_91 = tpu.memref_squeeze %dma_wait3A_90 : memref<1x10000xf32, #tpu.memory_space<hbm>> -> memref<10000xf32, #tpu.memory_space<hbm>>
    tpu.wait_dma2 semaphore(%arg11 : memref<!tpu.dma_semaphore, #tpu.memory_space<semaphore_mem>>) src(%dma_wait3A_91 : memref<10000xf32, #tpu.memory_space<hbm>>) dst(%arg5 : memref<10000xf32, #tpu.memory_space<vmem>>)
    %dma_wait3A_92 = arith.constant 0 : i32
    %dma_wait3A_93 = tpu.memref_slice %arg2[%add3A_60, %dma_wait3A_92] : memref<8x10000xf32, #tpu.memory_space<hbm>> -> memref<1x10000xf32, #tpu.memory_space<hbm>>
    %dma_wait3A_94 = tpu.memref_squeeze %dma_wait3A_93 : memref<1x10000xf32, #tpu.memory_space<hbm>> -> memref<10000xf32, #tpu.memory_space<hbm>>
    %dma_wait3A_95 = arith.constant 0 : i32
    %dma_wait3A_96 = tpu.memref_slice %arg2[%add3A_60, %dma_wait3A_95] : memref<8x10000xf32, #tpu.memory_space<hbm>> -> memref<1x10000xf32, #tpu.memory_space<hbm>>
    %dma_wait3A_97 = tpu.memref_squeeze %dma_wait3A_96 : memref<1x10000xf32, #tpu.memory_space<hbm>> -> memref<10000xf32, #tpu.memory_space<hbm>>
    tpu.wait_dma2 semaphore(%arg11 : memref<!tpu.dma_semaphore, #tpu.memory_space<semaphore_mem>>) src(%dma_wait3A_97 : memref<10000xf32, #tpu.memory_space<hbm>>) dst(%arg6 : memref<10000xf32, #tpu.memory_space<vmem>>)
    %dma_wait3A_98 = arith.constant 0 : i32
    %dma_wait3A_99 = tpu.memref_slice %arg2[%add3A_70, %dma_wait3A_98] : memref<8x10000xf32, #tpu.memory_space<hbm>> -> memref<1x10000xf32, #tpu.memory_space<hbm>>
    %dma_wait3A_100 = tpu.memref_squeeze %dma_wait3A_99 : memref<1x10000xf32, #tpu.memory_space<hbm>> -> memref<10000xf32, #tpu.memory_space<hbm>>
    %dma_wait3A_101 = arith.constant 0 : i32
    %dma_wait3A_102 = tpu.memref_slice %arg2[%add3A_70, %dma_wait3A_101] : memref<8x10000xf32, #tpu.memory_space<hbm>> -> memref<1x10000xf32, #tpu.memory_space<hbm>>
    %dma_wait3A_103 = tpu.memref_squeeze %dma_wait3A_102 : memref<1x10000xf32, #tpu.memory_space<hbm>> -> memref<10000xf32, #tpu.memory_space<hbm>>
    tpu.wait_dma2 semaphore(%arg11 : memref<!tpu.dma_semaphore, #tpu.memory_space<semaphore_mem>>) src(%dma_wait3A_103 : memref<10000xf32, #tpu.memory_space<hbm>>) dst(%arg7 : memref<10000xf32, #tpu.memory_space<vmem>>)
    %dma_wait3A_104 = arith.constant 0 : i32
    %dma_wait3A_105 = tpu.memref_slice %arg3[%arg0, %dma_wait3A_104, %mul3A_78] : memref<2x2x320000xi32, #tpu.memory_space<hbm>> -> memref<1x2x20096xi32, #tpu.memory_space<hbm>>
    %dma_wait3A_106 = tpu.memref_squeeze %dma_wait3A_105 : memref<1x2x20096xi32, #tpu.memory_space<hbm>> -> memref<2x20096xi32, #tpu.memory_space<hbm>>
    %dma_wait3A_107 = arith.constant 0 : i32
    %dma_wait3A_108 = tpu.memref_slice %arg3[%arg0, %dma_wait3A_107, %mul3A_78] : memref<2x2x320000xi32, #tpu.memory_space<hbm>> -> memref<1x2x20096xi32, #tpu.memory_space<hbm>>
    %dma_wait3A_109 = tpu.memref_squeeze %dma_wait3A_108 : memref<1x2x20096xi32, #tpu.memory_space<hbm>> -> memref<2x20096xi32, #tpu.memory_space<hbm>>
    tpu.wait_dma2 semaphore(%arg12 : memref<!tpu.dma_semaphore, #tpu.memory_space<semaphore_mem>>) src(%dma_wait3A_109 : memref<2x20096xi32, #tpu.memory_space<hbm>>) dst(%arg10 : memref<2x20096xi32, #tpu.memory_space<vmem>>)
    %scan3A = arith.constant 0 : i32
    %scan3A_110 = arith.constant 0 : i32
    %scan3A_111 = arith.constant 40 : i32
    %scan3A_112 = arith.addi %scan3A_110, %scan3A_111 : i32
    %scan3A_113 = arith.constant 1 : i32
    %scan3A_114 = scf.for %scan3A_146 = %scan3A_110 to %scan3A_112 step %scan3A_113 iter_args(%scan3A_147 = %scan3A) -> (i32)  : i32 {
      %mul3A_148 = arith.constant 16 : i32
      %mul3A_149 = arith.muli %scan3A_146, %mul3A_148 : i32
      %add3A_150 = arith.addi %arg1, %mul3A_149 : i32
      %lt3A = arith.constant 625 : i32
      %lt3A_151 = arith.cmpi slt, %add3A_150, %lt3A : i32
      %convert_element_type3A = arith.extui %lt3A_151 : i1 to i32
      %cond3A = arith.constant 0 : i32
      %cond3A_152 = arith.cmpi ne, %convert_element_type3A, %cond3A : i32
      scf.if %cond3A_152 {
        %mul3A_154 = arith.constant 16 : i32
        %mul3A_155 = arith.muli %add3A_150, %mul3A_154 : i32
        %get3A = arith.index_cast %mul3A_155 : i32 to index
        %get3A_156 = tpu.vector_load %arg5[%get3A] {strides = array<i32>} : memref<10000xf32, #tpu.memory_space<vmem>>, vector<16xf32>,
        %get3A_157 = arith.index_cast %mul3A_155 : i32 to index
        %get3A_158 = tpu.vector_load %arg6[%get3A_157] {strides = array<i32>} : memref<10000xf32, #tpu.memory_space<vmem>>, vector<16xf32>,
        %add3A_159 = arith.addf %get3A_156, %get3A_158 : vector<16xf32>
        %mul3A_160 = arith.constant 2.000000e-01 : f32
        %mul3A_161 = vector.broadcast %mul3A_160 : f32 to vector<16xf32>
        %mul3A_162 = arith.mulf %mul3A_161, %add3A_159 : vector<16xf32>
        %max3A = arith.maximumf %add3A_159, %mul3A_162 : vector<16xf32>
        %exp3A = math.exp %max3A : vector<16xf32>
        %get3A_163 = arith.index_cast %mul3A_155 : i32 to index
        %get3A_164 = tpu.vector_load %arg8[%get3A_163] {strides = array<i32>} : memref<10000xf32, #tpu.memory_space<vmem>>, vector<16xf32>,
        %add3A_165 = arith.addf %get3A_164, %exp3A : vector<16xf32>
        %swap3A = arith.index_cast %mul3A_155 : i32 to index
        %swap3A_166 = tpu.vector_load %arg8[%swap3A] {strides = array<i32>} : memref<10000xf32, #tpu.memory_space<vmem>>, vector<16xf32>,
        tpu.vector_store %arg8[%swap3A], %add3A_165 {strides = array<i32>} : memref<10000xf32, #tpu.memory_space<vmem>>, vector<16xf32>,
        %get3A_167 = arith.index_cast %mul3A_155 : i32 to index
        %get3A_168 = tpu.vector_load %arg9[%get3A_167] {strides = array<i32>} : memref<10000xf32, #tpu.memory_space<vmem>>, vector<16xf32>,
        %get3A_169 = arith.index_cast %mul3A_155 : i32 to index
        %get3A_170 = tpu.vector_load %arg7[%get3A_169] {strides = array<i32>} : memref<10000xf32, #tpu.memory_space<vmem>>, vector<16xf32>,
        %mul3A_171 = arith.mulf %exp3A, %get3A_170 : vector<16xf32>
        %add3A_172 = arith.addf %get3A_168, %mul3A_171 : vector<16xf32>
        %swap3A_173 = arith.index_cast %mul3A_155 : i32 to index
        %swap3A_174 = tpu.vector_load %arg9[%swap3A_173] {strides = array<i32>} : memref<10000xf32, #tpu.memory_space<vmem>>, vector<16xf32>,
        tpu.vector_store %arg9[%swap3A_173], %add3A_172 {strides = array<i32>} : memref<10000xf32, #tpu.memory_space<vmem>>, vector<16xf32>,
      } else {
      }
      %scan3A_153 = arith.constant 0 : i32
      scf.yield %scan3A_153 : i32
    }
    %scan3A_115 = arith.constant 40 : i32
    %parallel_loop3A_116 = arith.constant 0 : i32
    %parallel_loop3A_117 = arith.constant 1 : i32
    scf.for %parallel_loop3A_146 = %parallel_loop3A_116 to %mul3A_47 step %parallel_loop3A_117  : i32 {
      %parallel_loop3A_147 = arith.constant 16 : i32
      %parallel_loop3A_148 = arith.muli %parallel_loop3A_146, %parallel_loop3A_147 : i32
      %parallel_loop3A_149 = arith.constant 0 : i32
      %parallel_loop3A_150 = arith.index_cast %parallel_loop3A_149 : i32 to index
      %parallel_loop3A_151 = arith.index_cast %parallel_loop3A_148 : i32 to index
      %parallel_loop3A_152 = tpu.vector_load %arg10[%parallel_loop3A_150, %parallel_loop3A_151] {strides = array<i32>} : memref<2x20096xi32, #tpu.memory_space<vmem>>, vector<16xi32>,
      %parallel_loop3A_153 = arith.constant 1 : i32
      %parallel_loop3A_154 = arith.index_cast %parallel_loop3A_153 : i32 to index
      %parallel_loop3A_155 = arith.index_cast %parallel_loop3A_148 : i32 to index
      %parallel_loop3A_156 = tpu.vector_load %arg10[%parallel_loop3A_154, %parallel_loop3A_155] {strides = array<i32>} : memref<2x20096xi32, #tpu.memory_space<vmem>>, vector<16xi32>,
      %parallel_loop3A_157 = tpu.vector_load_idx %arg5[%parallel_loop3A_152] : memref<10000xf32, #tpu.memory_space<vmem>>[vector<16xi32>], vector<16xf32>,
      %parallel_loop3A_158 = tpu.vector_load_idx %arg6[%parallel_loop3A_156] : memref<10000xf32, #tpu.memory_space<vmem>>[vector<16xi32>], vector<16xf32>,
      %parallel_loop3A_159 = arith.addf %parallel_loop3A_157, %parallel_loop3A_158 : vector<16xf32>
      %parallel_loop3A_160 = arith.constant 2.000000e-01 : f32
      %parallel_loop3A_161 = vector.broadcast %parallel_loop3A_160 : f32 to vector<16xf32>
      %parallel_loop3A_162 = arith.mulf %parallel_loop3A_161, %parallel_loop3A_159 : vector<16xf32>
      %parallel_loop3A_163 = arith.maximumf %parallel_loop3A_159, %parallel_loop3A_162 : vector<16xf32>
      %parallel_loop3A_164 = math.exp %parallel_loop3A_163 : vector<16xf32>
      %parallel_loop3A_165 = tpu.vector_load_idx %arg7[%parallel_loop3A_152] : memref<10000xf32, #tpu.memory_space<vmem>>[vector<16xi32>], vector<16xf32>,
      tpu.vector_store_idx %arg8[%parallel_loop3A_156], %parallel_loop3A_164 {add = true} : memref<10000xf32, #tpu.memory_space<vmem>>[vector<16xi32>], vector<16xf32>,
      %parallel_loop3A_166 = arith.mulf %parallel_loop3A_164, %parallel_loop3A_165 : vector<16xf32>
      tpu.vector_store_idx %arg9[%parallel_loop3A_156], %parallel_loop3A_166 {add = true} : memref<10000xf32, #tpu.memory_space<vmem>>[vector<16xi32>], vector<16xf32>,
    } {sc.loop_unroll_factor = 8 : i64, sc.parallel_access}
    %dma_start3A_118 = arith.constant 0 : i32
    %dma_start3A_119 = arith.constant 0 : i32
    %dma_start3A_120 = tpu.memref_slice %arg4[%arg0, %arg1, %dma_start3A_118, %dma_start3A_119] : memref<2x16x2x10000xf32, #tpu.memory_space<hbm>> -> memref<1x1x1x10000xf32, #tpu.memory_space<hbm>>
    %dma_start3A_121 = tpu.memref_squeeze %dma_start3A_120 : memref<1x1x1x10000xf32, #tpu.memory_space<hbm>> -> memref<10000xf32, #tpu.memory_space<hbm>>
    %dma_start3A_122 = arith.constant 0 : i32
    %dma_start3A_123 = tpu.memref_slice %arg4[%arg0, %arg1, %dma_start3A_118, %dma_start3A_122] : memref<2x16x2x10000xf32, #tpu.memory_space<hbm>> -> memref<1x1x1x10000xf32, #tpu.memory_space<hbm>>
    %dma_start3A_124 = tpu.memref_squeeze %dma_start3A_123 : memref<1x1x1x10000xf32, #tpu.memory_space<hbm>> -> memref<10000xf32, #tpu.memory_space<hbm>>
    tpu.enqueue_dma source(%arg8 : memref<10000xf32, #tpu.memory_space<vmem>>) target(%dma_start3A_124 : memref<10000xf32, #tpu.memory_space<hbm>>) target_semaphore(%arg13 : memref<!tpu.dma_semaphore, #tpu.memory_space<semaphore_mem>>)
    %dma_start3A_125 = arith.constant 1 : i32
    %dma_start3A_126 = arith.constant 0 : i32
    %dma_start3A_127 = tpu.memref_slice %arg4[%arg0, %arg1, %dma_start3A_125, %dma_start3A_126] : memref<2x16x2x10000xf32, #tpu.memory_space<hbm>> -> memref<1x1x1x10000xf32, #tpu.memory_space<hbm>>
    %dma_start3A_128 = tpu.memref_squeeze %dma_start3A_127 : memref<1x1x1x10000xf32, #tpu.memory_space<hbm>> -> memref<10000xf32, #tpu.memory_space<hbm>>
    %dma_start3A_129 = arith.constant 0 : i32
    %dma_start3A_130 = tpu.memref_slice %arg4[%arg0, %arg1, %dma_start3A_125, %dma_start3A_129] : memref<2x16x2x10000xf32, #tpu.memory_space<hbm>> -> memref<1x1x1x10000xf32, #tpu.memory_space<hbm>>
    %dma_start3A_131 = tpu.memref_squeeze %dma_start3A_130 : memref<1x1x1x10000xf32, #tpu.memory_space<hbm>> -> memref<10000xf32, #tpu.memory_space<hbm>>
    tpu.enqueue_dma source(%arg9 : memref<10000xf32, #tpu.memory_space<vmem>>) target(%dma_start3A_131 : memref<10000xf32, #tpu.memory_space<hbm>>) target_semaphore(%arg13 : memref<!tpu.dma_semaphore, #tpu.memory_space<semaphore_mem>>)
    %dma_wait3A_132 = arith.constant 0 : i32
    %dma_wait3A_133 = arith.constant 0 : i32
    %dma_wait3A_134 = tpu.memref_slice %arg4[%arg0, %arg1, %dma_wait3A_132, %dma_wait3A_133] : memref<2x16x2x10000xf32, #tpu.memory_space<hbm>> -> memref<1x1x1x10000xf32, #tpu.memory_space<hbm>>
    %dma_wait3A_135 = tpu.memref_squeeze %dma_wait3A_134 : memref<1x1x1x10000xf32, #tpu.memory_space<hbm>> -> memref<10000xf32, #tpu.memory_space<hbm>>
    %dma_wait3A_136 = arith.constant 0 : i32
    %dma_wait3A_137 = tpu.memref_slice %arg4[%arg0, %arg1, %dma_wait3A_132, %dma_wait3A_136] : memref<2x16x2x10000xf32, #tpu.memory_space<hbm>> -> memref<1x1x1x10000xf32, #tpu.memory_space<hbm>>
    %dma_wait3A_138 = tpu.memref_squeeze %dma_wait3A_137 : memref<1x1x1x10000xf32, #tpu.memory_space<hbm>> -> memref<10000xf32, #tpu.memory_space<hbm>>
    tpu.wait_dma2 semaphore(%arg13 : memref<!tpu.dma_semaphore, #tpu.memory_space<semaphore_mem>>) src(%arg8 : memref<10000xf32, #tpu.memory_space<vmem>>) dst(%dma_wait3A_138 : memref<10000xf32, #tpu.memory_space<hbm>>)
    %dma_wait3A_139 = arith.constant 1 : i32
    %dma_wait3A_140 = arith.constant 0 : i32
    %dma_wait3A_141 = tpu.memref_slice %arg4[%arg0, %arg1, %dma_wait3A_139, %dma_wait3A_140] : memref<2x16x2x10000xf32, #tpu.memory_space<hbm>> -> memref<1x1x1x10000xf32, #tpu.memory_space<hbm>>
    %dma_wait3A_142 = tpu.memref_squeeze %dma_wait3A_141 : memref<1x1x1x10000xf32, #tpu.memory_space<hbm>> -> memref<10000xf32, #tpu.memory_space<hbm>>
    %dma_wait3A_143 = arith.constant 0 : i32
    %dma_wait3A_144 = tpu.memref_slice %arg4[%arg0, %arg1, %dma_wait3A_139, %dma_wait3A_143] : memref<2x16x2x10000xf32, #tpu.memory_space<hbm>> -> memref<1x1x1x10000xf32, #tpu.memory_space<hbm>>
    %dma_wait3A_145 = tpu.memref_squeeze %dma_wait3A_144 : memref<1x1x1x10000xf32, #tpu.memory_space<hbm>> -> memref<10000xf32, #tpu.memory_space<hbm>>
    tpu.wait_dma2 semaphore(%arg13 : memref<!tpu.dma_semaphore, #tpu.memory_space<semaphore_mem>>) src(%arg9 : memref<10000xf32, #tpu.memory_space<vmem>>) dst(%dma_wait3A_145 : memref<10000xf32, #tpu.memory_space<hbm>>)
    return
  }
}

module attributes {stable_mosaic.version = 14 : i64} {
  func.func @_prep_body(%arg0: memref<10000x128xf32, #tpu.memory_space<vmem>>, %arg1: memref<10000x128xf32, #tpu.memory_space<vmem>>, %arg2: memref<2x128x16xf32, #tpu.memory_space<vmem>>, %arg3: memref<2x16x3xf32, #tpu.memory_space<vmem>>, %arg4: memref<2x320000xi32, #tpu.memory_space<vmem>>, %arg5: memref<2x320000xi32, #tpu.memory_space<vmem>>, %arg6: memref<8x10000xf32, #tpu.memory_space<vmem>>, %arg7: memref<2x2x320000xi32, #tpu.memory_space<vmem>>) attributes {dimension_semantics = [], scalar_prefetch = 0 : i64, scratch_operands = 0 : i64, tpu.core_type = #tpu.core_type<tc>} {
    %get3A = arith.constant 0 : index
    %get3A_0 = arith.constant 0 : index
    %get3A_1 = arith.constant 0 : index
    %get3A_2 = vector.load %arg2[%get3A, %get3A_0, %get3A_1] : memref<2x128x16xf32, #tpu.memory_space<vmem>>, vector<1x128x16xf32>
    %get3A_3 = vector.shape_cast %get3A_2 : vector<1x128x16xf32> to vector<128x16xf32>
    %get3A_4 = arith.constant 0 : index
    %get3A_5 = arith.constant 0 : index
    %get3A_6 = arith.constant 0 : index
    %get3A_7 = vector.load %arg3[%get3A_4, %get3A_5, %get3A_6] : memref<2x16x3xf32, #tpu.memory_space<vmem>>, vector<1x16x3xf32>
    %get3A_8 = vector.shape_cast %get3A_7 : vector<1x16x3xf32> to vector<16x3xf32>
    %dot_general3A = arith.constant dense<0.000000e+00> : vector<128x3xf32>
    %dot_general3A_9 = tpu.matmul %get3A_3, %get3A_8, %dot_general3A {dimension_numbers = #tpu.dot_dimension_numbers<[1], [0], [0], [1], [0, 0, 1, 1], [], []>, transpose_lhs_hint = false} : vector<128x16xf32>, vector<16x3xf32>, vector<128x3xf32> -> vector<128x3xf32>
    %get3A_10 = arith.constant 0 : index
    %get3A_11 = arith.constant 0 : index
    %get3A_12 = vector.load %arg0[%get3A_10, %get3A_11] : memref<10000x128xf32, #tpu.memory_space<vmem>>, vector<10000x128xf32>
    %dot_general3A_13 = arith.constant dense<0.000000e+00> : vector<3x10000xf32>
    %dot_general3A_14 = tpu.matmul %dot_general3A_9, %get3A_12, %dot_general3A_13 {dimension_numbers = #tpu.dot_dimension_numbers<[0], [1], [1], [0], [0, 1, 1, 0], [], []>, transpose_lhs_hint = false} : vector<128x3xf32>, vector<10000x128xf32>, vector<3x10000xf32> -> vector<3x10000xf32>
    %get3A_15 = arith.constant 1 : index
    %get3A_16 = arith.constant 0 : index
    %get3A_17 = arith.constant 0 : index
    %get3A_18 = vector.load %arg2[%get3A_15, %get3A_16, %get3A_17] : memref<2x128x16xf32, #tpu.memory_space<vmem>>, vector<1x128x16xf32>
    %get3A_19 = vector.shape_cast %get3A_18 : vector<1x128x16xf32> to vector<128x16xf32>
    %get3A_20 = arith.constant 1 : index
    %get3A_21 = arith.constant 0 : index
    %get3A_22 = arith.constant 0 : index
    %get3A_23 = vector.load %arg3[%get3A_20, %get3A_21, %get3A_22] : memref<2x16x3xf32, #tpu.memory_space<vmem>>, vector<1x16x3xf32>
    %get3A_24 = vector.shape_cast %get3A_23 : vector<1x16x3xf32> to vector<16x3xf32>
    %dot_general3A_25 = arith.constant dense<0.000000e+00> : vector<128x3xf32>
    %dot_general3A_26 = tpu.matmul %get3A_19, %get3A_24, %dot_general3A_25 {dimension_numbers = #tpu.dot_dimension_numbers<[1], [0], [0], [1], [0, 0, 1, 1], [], []>, transpose_lhs_hint = false} : vector<128x16xf32>, vector<16x3xf32>, vector<128x3xf32> -> vector<128x3xf32>
    %get3A_27 = arith.constant 0 : index
    %get3A_28 = arith.constant 0 : index
    %get3A_29 = vector.load %arg1[%get3A_27, %get3A_28] : memref<10000x128xf32, #tpu.memory_space<vmem>>, vector<10000x128xf32>
    %dot_general3A_30 = arith.constant dense<0.000000e+00> : vector<3x10000xf32>
    %dot_general3A_31 = tpu.matmul %dot_general3A_26, %get3A_29, %dot_general3A_30 {dimension_numbers = #tpu.dot_dimension_numbers<[0], [1], [1], [0], [0, 1, 1, 0], [], []>, transpose_lhs_hint = false} : vector<128x3xf32>, vector<10000x128xf32>, vector<3x10000xf32> -> vector<3x10000xf32>
    %broadcast_in_dim3A = arith.constant 0.000000e+00 : f32
    %broadcast_in_dim3A_32 = vector.broadcast %broadcast_in_dim3A : f32 to vector<2x10000xf32>
    %concatenate3A = tpu.concatenate %dot_general3A_14, %dot_general3A_31, %broadcast_in_dim3A_32 in 0 : vector<3x10000xf32>, vector<3x10000xf32>, vector<2x10000xf32> -> vector<8x10000xf32>
    %swap3A = arith.constant 0 : index
    %swap3A_33 = arith.constant 0 : index
    %swap3A_34 = vector.load %arg6[%swap3A, %swap3A_33] : memref<8x10000xf32, #tpu.memory_space<vmem>>, vector<8x10000xf32>
    tpu.vector_store %arg6[%swap3A, %swap3A_33], %concatenate3A {strides = array<i32>} : memref<8x10000xf32, #tpu.memory_space<vmem>>, vector<8x10000xf32>,
    %get3A_35 = arith.constant 0 : index
    %get3A_36 = arith.constant 0 : index
    %get3A_37 = vector.load %arg4[%get3A_35, %get3A_36] : memref<2x320000xi32, #tpu.memory_space<vmem>>, vector<2x320000xi32>
    %swap3A_38 = arith.constant 0 : index
    %swap3A_39 = arith.constant 0 : index
    %swap3A_40 = arith.constant 0 : index
    %swap3A_41 = vector.load %arg7[%swap3A_38, %swap3A_39, %swap3A_40] : memref<2x2x320000xi32, #tpu.memory_space<vmem>>, vector<1x2x320000xi32>
    %swap3A_42 = vector.shape_cast %swap3A_41 : vector<1x2x320000xi32> to vector<2x320000xi32>
    %swap3A_43 = vector.shape_cast %get3A_37 : vector<2x320000xi32> to vector<1x2x320000xi32>
    tpu.vector_store %arg7[%swap3A_38, %swap3A_39, %swap3A_40], %swap3A_43 {strides = array<i32>} : memref<2x2x320000xi32, #tpu.memory_space<vmem>>, vector<1x2x320000xi32>,
    %get3A_44 = arith.constant 0 : index
    %get3A_45 = arith.constant 0 : index
    %get3A_46 = vector.load %arg5[%get3A_44, %get3A_45] : memref<2x320000xi32, #tpu.memory_space<vmem>>, vector<2x320000xi32>
    %swap3A_47 = arith.constant 1 : index
    %swap3A_48 = arith.constant 0 : index
    %swap3A_49 = arith.constant 0 : index
    %swap3A_50 = vector.load %arg7[%swap3A_47, %swap3A_48, %swap3A_49] : memref<2x2x320000xi32, #tpu.memory_space<vmem>>, vector<1x2x320000xi32>
    %swap3A_51 = vector.shape_cast %swap3A_50 : vector<1x2x320000xi32> to vector<2x320000xi32>
    %swap3A_52 = vector.shape_cast %get3A_46 : vector<2x320000xi32> to vector<1x2x320000xi32>
    tpu.vector_store %arg7[%swap3A_47, %swap3A_48, %swap3A_49], %swap3A_52 {strides = array<i32>} : memref<2x2x320000xi32, #tpu.memory_space<vmem>>, vector<1x2x320000xi32>,
    return
  }
}

module attributes {stable_mosaic.version = 14 : i64} {
  func.func @_onehot_body(%arg0: memref<1x10000xi32, #tpu.memory_space<vmem>>, %arg1: memref<1x10000xi32, #tpu.memory_space<vmem>>, %arg2: memref<2x64x10000xbf16, #tpu.memory_space<vmem>>, %arg3: memref<2x64xf32, #tpu.memory_space<vmem>>) attributes {dimension_semantics = [], scalar_prefetch = 0 : i64, scratch_operands = 0 : i64, tpu.core_type = #tpu.core_type<tc>} {
    %iota3A = tpu.iota {dimensions = array<i32: 0>} : vector<64x10000xi32>
    %get3A = arith.constant 0 : index
    %get3A_0 = arith.constant 0 : index
    %get3A_1 = vector.load %arg0[%get3A, %get3A_0] : memref<1x10000xi32, #tpu.memory_space<vmem>>, vector<1x10000xi32>
    %eq3A = vector.broadcast %get3A_1 : vector<1x10000xi32> to vector<64x10000xi32>
    %eq3A_2 = arith.cmpi eq, %iota3A, %eq3A : vector<64x10000xi32>
    %convert_element_type3A = arith.extui %eq3A_2 : vector<64x10000xi1> to vector<64x10000xi32>
    %convert_element_type3A_3 = arith.sitofp %convert_element_type3A : vector<64x10000xi32> to vector<64x10000xf32>
    %reduce_sum3A = arith.constant dense<0.000000e+00> : vector<64xf32>
    %reduce_sum3A_4 = vector.multi_reduction <add>, %convert_element_type3A_3, %reduce_sum3A [1] : vector<64x10000xf32> to vector<64xf32>
    %swap3A = arith.constant 0 : index
    %swap3A_5 = arith.constant 0 : index
    %swap3A_6 = vector.load %arg3[%swap3A, %swap3A_5] : memref<2x64xf32, #tpu.memory_space<vmem>>, vector<1x64xf32>
    %swap3A_7 = vector.shape_cast %swap3A_6 : vector<1x64xf32> to vector<64xf32>
    %swap3A_8 = vector.shape_cast %reduce_sum3A_4 : vector<64xf32> to vector<1x64xf32>
    tpu.vector_store %arg3[%swap3A, %swap3A_5], %swap3A_8 {strides = array<i32>} : memref<2x64xf32, #tpu.memory_space<vmem>>, vector<1x64xf32>,
    %convert_element_type3A_9 = arith.truncf %convert_element_type3A_3 : vector<64x10000xf32> to vector<64x10000xbf16>
    %swap3A_10 = arith.constant 0 : index
    %swap3A_11 = arith.constant 0 : index
    %swap3A_12 = arith.constant 0 : index
    %swap3A_13 = vector.load %arg2[%swap3A_10, %swap3A_11, %swap3A_12] : memref<2x64x10000xbf16, #tpu.memory_space<vmem>>, vector<1x64x10000xbf16>
    %swap3A_14 = vector.shape_cast %swap3A_13 : vector<1x64x10000xbf16> to vector<64x10000xbf16>
    %swap3A_15 = vector.shape_cast %convert_element_type3A_9 : vector<64x10000xbf16> to vector<1x64x10000xbf16>
    tpu.vector_store %arg2[%swap3A_10, %swap3A_11, %swap3A_12], %swap3A_15 {strides = array<i32>} : memref<2x64x10000xbf16, #tpu.memory_space<vmem>>, vector<1x64x10000xbf16>,
    %iota3A_16 = tpu.iota {dimensions = array<i32: 0>} : vector<64x10000xi32>
    %get3A_17 = arith.constant 0 : index
    %get3A_18 = arith.constant 0 : index
    %get3A_19 = vector.load %arg1[%get3A_17, %get3A_18] : memref<1x10000xi32, #tpu.memory_space<vmem>>, vector<1x10000xi32>
    %eq3A_20 = vector.broadcast %get3A_19 : vector<1x10000xi32> to vector<64x10000xi32>
    %eq3A_21 = arith.cmpi eq, %iota3A_16, %eq3A_20 : vector<64x10000xi32>
    %convert_element_type3A_22 = arith.extui %eq3A_21 : vector<64x10000xi1> to vector<64x10000xi32>
    %convert_element_type3A_23 = arith.sitofp %convert_element_type3A_22 : vector<64x10000xi32> to vector<64x10000xf32>
    %reduce_sum3A_24 = arith.constant dense<0.000000e+00> : vector<64xf32>
    %reduce_sum3A_25 = vector.multi_reduction <add>, %convert_element_type3A_23, %reduce_sum3A_24 [1] : vector<64x10000xf32> to vector<64xf32>
    %swap3A_26 = arith.constant 1 : index
    %swap3A_27 = arith.constant 0 : index
    %swap3A_28 = vector.load %arg3[%swap3A_26, %swap3A_27] : memref<2x64xf32, #tpu.memory_space<vmem>>, vector<1x64xf32>
    %swap3A_29 = vector.shape_cast %swap3A_28 : vector<1x64xf32> to vector<64xf32>
    %swap3A_30 = vector.shape_cast %reduce_sum3A_25 : vector<64xf32> to vector<1x64xf32>
    tpu.vector_store %arg3[%swap3A_26, %swap3A_27], %swap3A_30 {strides = array<i32>} : memref<2x64xf32, #tpu.memory_space<vmem>>, vector<1x64xf32>,
    %convert_element_type3A_31 = arith.truncf %convert_element_type3A_23 : vector<64x10000xf32> to vector<64x10000xbf16>
    %swap3A_32 = arith.constant 1 : index
    %swap3A_33 = arith.constant 0 : index
    %swap3A_34 = arith.constant 0 : index
    %swap3A_35 = vector.load %arg2[%swap3A_32, %swap3A_33, %swap3A_34] : memref<2x64x10000xbf16, #tpu.memory_space<vmem>>, vector<1x64x10000xbf16>
    %swap3A_36 = vector.shape_cast %swap3A_35 : vector<1x64x10000xbf16> to vector<64x10000xbf16>
    %swap3A_37 = vector.shape_cast %convert_element_type3A_31 : vector<64x10000xbf16> to vector<1x64x10000xbf16>
    tpu.vector_store %arg2[%swap3A_32, %swap3A_33, %swap3A_34], %swap3A_37 {strides = array<i32>} : memref<2x64x10000xbf16, #tpu.memory_space<vmem>>, vector<1x64x10000xbf16>,
    return
  }
}

module attributes {stable_mosaic.version = 14 : i64} {
  func.func @_head_body(%arg0: memref<2x16x2x10000xf32, #tpu.memory_space<vmem>>, %arg1: memref<2x64x10000xbf16, #tpu.memory_space<vmem>>, %arg2: memref<2x64xf32, #tpu.memory_space<vmem>>, %arg3: memref<2x16xf32, #tpu.memory_space<vmem>>, %arg4: memref<2x16x1xf32, #tpu.memory_space<vmem>>, %arg5: memref<2x1xf32, #tpu.memory_space<vmem>>, %arg6: memref<2x16xf32, #tpu.memory_space<vmem>>, %arg7: memref<1x16xf32, #tpu.memory_space<vmem>>, %arg8: memref<8x16x16xf32, #tpu.memory_space<vmem>>, %arg9: memref<8x16xf32, #tpu.memory_space<vmem>>, %arg10: memref<16x2xf32, #tpu.memory_space<vmem>>, %arg11: memref<1x2xf32, #tpu.memory_space<vmem>>, %arg12: memref<64x2xf32, #tpu.memory_space<vmem>>) attributes {dimension_semantics = [], scalar_prefetch = 0 : i64, scratch_operands = 0 : i64, tpu.core_type = #tpu.core_type<tc>} {
    %get3A = arith.constant 0 : index
    %get3A_0 = arith.constant 0 : index
    %get3A_1 = arith.constant 0 : index
    %get3A_2 = arith.constant 0 : index
    %get3A_3 = vector.load %arg0[%get3A, %get3A_0, %get3A_1, %get3A_2] : memref<2x16x2x10000xf32, #tpu.memory_space<vmem>>, vector<1x16x1x10000xf32>
    %get3A_4 = vector.shape_cast %get3A_3 : vector<1x16x1x10000xf32> to vector<16x10000xf32>
    %reduce_sum3A = arith.constant dense<0.000000e+00> : vector<10000xf32>
    %reduce_sum3A_5 = vector.multi_reduction <add>, %get3A_4, %reduce_sum3A [0] : vector<16x10000xf32> to vector<10000xf32>
    %get3A_6 = arith.constant 0 : index
    %get3A_7 = arith.constant 0 : index
    %get3A_8 = arith.constant 1 : index
    %get3A_9 = arith.constant 0 : index
    %get3A_10 = vector.load %arg0[%get3A_6, %get3A_7, %get3A_8, %get3A_9] : memref<2x16x2x10000xf32, #tpu.memory_space<vmem>>, vector<1x16x1x10000xf32>
    %get3A_11 = vector.shape_cast %get3A_10 : vector<1x16x1x10000xf32> to vector<16x10000xf32>
    %reduce_sum3A_12 = arith.constant dense<0.000000e+00> : vector<10000xf32>
    %reduce_sum3A_13 = vector.multi_reduction <add>, %get3A_11, %reduce_sum3A_12 [0] : vector<16x10000xf32> to vector<10000xf32>
    %get3A_14 = arith.constant 0 : index
    %get3A_15 = arith.constant 0 : index
    %get3A_16 = vector.load %arg3[%get3A_14, %get3A_15] : memref<2x16xf32, #tpu.memory_space<vmem>>, vector<1x16xf32>
    %get3A_17 = vector.shape_cast %get3A_16 : vector<1x16xf32> to vector<16xf32>
    %get3A_18 = arith.constant 0 : index
    %get3A_19 = arith.constant 0 : index
    %get3A_20 = arith.constant 0 : index
    %get3A_21 = vector.load %arg4[%get3A_18, %get3A_19, %get3A_20] : memref<2x16x1xf32, #tpu.memory_space<vmem>>, vector<1x16x1xf32>
    %get3A_22 = vector.shape_cast %get3A_21 : vector<1x16x1xf32> to vector<16xf32>
    %mul3A = arith.mulf %get3A_17, %get3A_22 : vector<16xf32>
    %reduce_sum3A_23 = vector.shape_cast %mul3A : vector<16xf32> to vector<1x16xf32>
    %reduce_sum3A_24 = arith.constant dense<0.000000e+00> : vector<1xf32>
    %reduce_sum3A_25 = vector.multi_reduction <add>, %reduce_sum3A_23, %reduce_sum3A_24 [1] : vector<1x16xf32> to vector<1xf32>
    %reduce_sum3A_26 = vector.shape_cast %reduce_sum3A_25 : vector<1xf32> to vector<1x1xf32>
    %reduce_sum3A_27 = vector.extract %reduce_sum3A_26[0, 0] : f32 from vector<1x1xf32>
    %get3A_28 = arith.constant 0 : index
    %get3A_29 = arith.constant 0 : index
    %get3A_30 = vector.load %arg5[%get3A_28, %get3A_29] : memref<2x1xf32, #tpu.memory_space<vmem>>, vector<1x1xf32>
    %get3A_31 = vector.extract %get3A_30[0, 0] : f32 from vector<1x1xf32>
    %add3A = arith.addf %reduce_sum3A_27, %get3A_31 : f32
    %eq3A = arith.constant 0.000000e+00 : f32
    %eq3A_32 = vector.broadcast %eq3A : f32 to vector<10000xf32>
    %eq3A_33 = arith.cmpf oeq, %reduce_sum3A_5, %eq3A_32 : vector<10000xf32>
    %jit3A = arith.constant 1.000000e+00 : f32
    %broadcast_in_dim3A = vector.broadcast %jit3A : f32 to vector<10000xf32>
    %select_n3A = arith.select %eq3A_33, %broadcast_in_dim3A, %reduce_sum3A_5 : vector<10000xi1>, vector<10000xf32>
    %div3A = arith.divf %reduce_sum3A_13, %select_n3A : vector<10000xf32>
    %add3A_34 = vector.broadcast %add3A : f32 to vector<10000xf32>
    %add3A_35 = arith.addf %div3A, %add3A_34 : vector<10000xf32>
    %get3A_36 = arith.constant 0 : index
    %get3A_37 = arith.constant 0 : index
    %get3A_38 = arith.constant 0 : index
    %get3A_39 = vector.load %arg1[%get3A_36, %get3A_37, %get3A_38] : memref<2x64x10000xbf16, #tpu.memory_space<vmem>>, vector<1x64x10000xbf16>
    %get3A_40 = vector.shape_cast %get3A_39 : vector<1x64x10000xbf16> to vector<64x10000xbf16>
    %convert_element_type3A = arith.extf %get3A_40 : vector<64x10000xbf16> to vector<64x10000xf32>
    %broadcast_in_dim3A_41 = vector.shape_cast %add3A_35 : vector<10000xf32> to vector<10000x1xf32>
    %dot_general3A = arith.constant dense<0.000000e+00> : vector<64x1xf32>
    %dot_general3A_42 = tpu.matmul %convert_element_type3A, %broadcast_in_dim3A_41, %dot_general3A {dimension_numbers = #tpu.dot_dimension_numbers<[1], [0], [0], [1], [0, 0, 1, 1], [], []>, transpose_lhs_hint = false} : vector<64x10000xf32>, vector<10000x1xf32>, vector<64x1xf32> -> vector<64x1xf32>
    %squeeze3A = vector.shape_cast %dot_general3A_42 : vector<64x1xf32> to vector<64xf32>
    %get3A_43 = arith.constant 0 : index
    %get3A_44 = arith.constant 0 : index
    %get3A_45 = vector.load %arg2[%get3A_43, %get3A_44] : memref<2x64xf32, #tpu.memory_space<vmem>>, vector<1x64xf32>
    %get3A_46 = vector.shape_cast %get3A_45 : vector<1x64xf32> to vector<64xf32>
    %max3A = arith.constant 1.000000e+00 : f32
    %max3A_47 = vector.broadcast %max3A : f32 to vector<64xf32>
    %max3A_48 = arith.maximumf %get3A_46, %max3A_47 : vector<64xf32>
    %div3A_49 = arith.divf %squeeze3A, %max3A_48 : vector<64xf32>
    %get3A_50 = arith.constant 1 : index
    %get3A_51 = arith.constant 0 : index
    %get3A_52 = arith.constant 0 : index
    %get3A_53 = arith.constant 0 : index
    %get3A_54 = vector.load %arg0[%get3A_50, %get3A_51, %get3A_52, %get3A_53] : memref<2x16x2x10000xf32, #tpu.memory_space<vmem>>, vector<1x16x1x10000xf32>
    %get3A_55 = vector.shape_cast %get3A_54 : vector<1x16x1x10000xf32> to vector<16x10000xf32>
    %reduce_sum3A_56 = arith.constant dense<0.000000e+00> : vector<10000xf32>
    %reduce_sum3A_57 = vector.multi_reduction <add>, %get3A_55, %reduce_sum3A_56 [0] : vector<16x10000xf32> to vector<10000xf32>
    %get3A_58 = arith.constant 1 : index
    %get3A_59 = arith.constant 0 : index
    %get3A_60 = arith.constant 1 : index
    %get3A_61 = arith.constant 0 : index
    %get3A_62 = vector.load %arg0[%get3A_58, %get3A_59, %get3A_60, %get3A_61] : memref<2x16x2x10000xf32, #tpu.memory_space<vmem>>, vector<1x16x1x10000xf32>
    %get3A_63 = vector.shape_cast %get3A_62 : vector<1x16x1x10000xf32> to vector<16x10000xf32>
    %reduce_sum3A_64 = arith.constant dense<0.000000e+00> : vector<10000xf32>
    %reduce_sum3A_65 = vector.multi_reduction <add>, %get3A_63, %reduce_sum3A_64 [0] : vector<16x10000xf32> to vector<10000xf32>
    %get3A_66 = arith.constant 1 : index
    %get3A_67 = arith.constant 0 : index
    %get3A_68 = vector.load %arg3[%get3A_66, %get3A_67] : memref<2x16xf32, #tpu.memory_space<vmem>>, vector<1x16xf32>
    %get3A_69 = vector.shape_cast %get3A_68 : vector<1x16xf32> to vector<16xf32>
    %get3A_70 = arith.constant 1 : index
    %get3A_71 = arith.constant 0 : index
    %get3A_72 = arith.constant 0 : index
    %get3A_73 = vector.load %arg4[%get3A_70, %get3A_71, %get3A_72] : memref<2x16x1xf32, #tpu.memory_space<vmem>>, vector<1x16x1xf32>
    %get3A_74 = vector.shape_cast %get3A_73 : vector<1x16x1xf32> to vector<16xf32>
    %mul3A_75 = arith.mulf %get3A_69, %get3A_74 : vector<16xf32>
    %reduce_sum3A_76 = vector.shape_cast %mul3A_75 : vector<16xf32> to vector<1x16xf32>
    %reduce_sum3A_77 = arith.constant dense<0.000000e+00> : vector<1xf32>
    %reduce_sum3A_78 = vector.multi_reduction <add>, %reduce_sum3A_76, %reduce_sum3A_77 [1] : vector<1x16xf32> to vector<1xf32>
    %reduce_sum3A_79 = vector.shape_cast %reduce_sum3A_78 : vector<1xf32> to vector<1x1xf32>
    %reduce_sum3A_80 = vector.extract %reduce_sum3A_79[0, 0] : f32 from vector<1x1xf32>
    %get3A_81 = arith.constant 1 : index
    %get3A_82 = arith.constant 0 : index
    %get3A_83 = vector.load %arg5[%get3A_81, %get3A_82] : memref<2x1xf32, #tpu.memory_space<vmem>>, vector<1x1xf32>
    %get3A_84 = vector.extract %get3A_83[0, 0] : f32 from vector<1x1xf32>
    %add3A_85 = arith.addf %reduce_sum3A_80, %get3A_84 : f32
    %eq3A_86 = arith.constant 0.000000e+00 : f32
    %eq3A_87 = vector.broadcast %eq3A_86 : f32 to vector<10000xf32>
    %eq3A_88 = arith.cmpf oeq, %reduce_sum3A_57, %eq3A_87 : vector<10000xf32>
    %jit3A_89 = arith.constant 1.000000e+00 : f32
    %broadcast_in_dim3A_90 = vector.broadcast %jit3A_89 : f32 to vector<10000xf32>
    %select_n3A_91 = arith.select %eq3A_88, %broadcast_in_dim3A_90, %reduce_sum3A_57 : vector<10000xi1>, vector<10000xf32>
    %div3A_92 = arith.divf %reduce_sum3A_65, %select_n3A_91 : vector<10000xf32>
    %add3A_93 = vector.broadcast %add3A_85 : f32 to vector<10000xf32>
    %add3A_94 = arith.addf %div3A_92, %add3A_93 : vector<10000xf32>
    %get3A_95 = arith.constant 1 : index
    %get3A_96 = arith.constant 0 : index
    %get3A_97 = arith.constant 0 : index
    %get3A_98 = vector.load %arg1[%get3A_95, %get3A_96, %get3A_97] : memref<2x64x10000xbf16, #tpu.memory_space<vmem>>, vector<1x64x10000xbf16>
    %get3A_99 = vector.shape_cast %get3A_98 : vector<1x64x10000xbf16> to vector<64x10000xbf16>
    %convert_element_type3A_100 = arith.extf %get3A_99 : vector<64x10000xbf16> to vector<64x10000xf32>
    %broadcast_in_dim3A_101 = vector.shape_cast %add3A_94 : vector<10000xf32> to vector<10000x1xf32>
    %dot_general3A_102 = arith.constant dense<0.000000e+00> : vector<64x1xf32>
    %dot_general3A_103 = tpu.matmul %convert_element_type3A_100, %broadcast_in_dim3A_101, %dot_general3A_102 {dimension_numbers = #tpu.dot_dimension_numbers<[1], [0], [0], [1], [0, 0, 1, 1], [], []>, transpose_lhs_hint = false} : vector<64x10000xf32>, vector<10000x1xf32>, vector<64x1xf32> -> vector<64x1xf32>
    %squeeze3A_104 = vector.shape_cast %dot_general3A_103 : vector<64x1xf32> to vector<64xf32>
    %get3A_105 = arith.constant 1 : index
    %get3A_106 = arith.constant 0 : index
    %get3A_107 = vector.load %arg2[%get3A_105, %get3A_106] : memref<2x64xf32, #tpu.memory_space<vmem>>, vector<1x64xf32>
    %get3A_108 = vector.shape_cast %get3A_107 : vector<1x64xf32> to vector<64xf32>
    %max3A_109 = arith.constant 1.000000e+00 : f32
    %max3A_110 = vector.broadcast %max3A_109 : f32 to vector<64xf32>
    %max3A_111 = arith.maximumf %get3A_108, %max3A_110 : vector<64xf32>
    %div3A_112 = arith.divf %squeeze3A_104, %max3A_111 : vector<64xf32>
    %stack3A = vector.shape_cast %div3A_49 : vector<64xf32> to vector<64x1xf32>
    %stack3A_113 = vector.shape_cast %div3A_112 : vector<64xf32> to vector<64x1xf32>
    %stack3A_114 = tpu.concatenate %stack3A, %stack3A_113 in 1 : vector<64x1xf32>, vector<64x1xf32> -> vector<64x2xf32>
    %get3A_115 = arith.constant 0 : index
    %get3A_116 = arith.constant 0 : index
    %get3A_117 = vector.load %arg6[%get3A_115, %get3A_116] : memref<2x16xf32, #tpu.memory_space<vmem>>, vector<2x16xf32>
    %dot_general3A_118 = arith.constant dense<0.000000e+00> : vector<64x16xf32>
    %dot_general3A_119 = tpu.matmul %stack3A_114, %get3A_117, %dot_general3A_118 {dimension_numbers = #tpu.dot_dimension_numbers<[1], [0], [0], [1], [0, 0, 1, 1], [], []>, transpose_lhs_hint = false} : vector<64x2xf32>, vector<2x16xf32>, vector<64x16xf32> -> vector<64x16xf32>
    %get3A_120 = arith.constant 0 : index
    %get3A_121 = arith.constant 0 : index
    %get3A_122 = vector.load %arg7[%get3A_120, %get3A_121] : memref<1x16xf32, #tpu.memory_space<vmem>>, vector<1x16xf32>
    %add3A_123 = vector.broadcast %get3A_122 : vector<1x16xf32> to vector<64x16xf32>
    %add3A_124 = arith.addf %dot_general3A_119, %add3A_123 : vector<64x16xf32>
    %ge3A = arith.constant 0.000000e+00 : f32
    %ge3A_125 = vector.broadcast %ge3A : f32 to vector<64x16xf32>
    %ge3A_126 = arith.cmpf oge, %add3A_124, %ge3A_125 : vector<64x16xf32>
    %mul3A_127 = arith.constant 0.00999999977 : f32
    %mul3A_128 = vector.broadcast %mul3A_127 : f32 to vector<64x16xf32>
    %mul3A_129 = arith.mulf %mul3A_128, %add3A_124 : vector<64x16xf32>
    %select_n3A_130 = arith.select %ge3A_126, %add3A_124, %mul3A_129 : vector<64x16xi1>, vector<64x16xf32>
    %get3A_131 = arith.constant 0 : index
    %get3A_132 = arith.constant 0 : index
    %get3A_133 = arith.constant 0 : index
    %get3A_134 = vector.load %arg8[%get3A_131, %get3A_132, %get3A_133] : memref<8x16x16xf32, #tpu.memory_space<vmem>>, vector<1x16x16xf32>
    %get3A_135 = vector.shape_cast %get3A_134 : vector<1x16x16xf32> to vector<16x16xf32>
    %dot_general3A_136 = arith.constant dense<0.000000e+00> : vector<64x16xf32>
    %dot_general3A_137 = tpu.matmul %select_n3A_130, %get3A_135, %dot_general3A_136 {dimension_numbers = #tpu.dot_dimension_numbers<[1], [0], [0], [1], [0, 0, 1, 1], [], []>, transpose_lhs_hint = false} : vector<64x16xf32>, vector<16x16xf32>, vector<64x16xf32> -> vector<64x16xf32>
    %get3A_138 = arith.constant 0 : index
    %get3A_139 = arith.constant 0 : index
    %get3A_140 = vector.load %arg9[%get3A_138, %get3A_139] : memref<8x16xf32, #tpu.memory_space<vmem>>, vector<1x16xf32>
    %get3A_141 = vector.shape_cast %get3A_140 : vector<1x16xf32> to vector<16xf32>
    %broadcast_in_dim3A_142 = vector.shape_cast %get3A_141 : vector<16xf32> to vector<1x16xf32>
    %add3A_143 = vector.broadcast %broadcast_in_dim3A_142 : vector<1x16xf32> to vector<64x16xf32>
    %add3A_144 = arith.addf %dot_general3A_137, %add3A_143 : vector<64x16xf32>
    %ge3A_145 = arith.constant 0.000000e+00 : f32
    %ge3A_146 = vector.broadcast %ge3A_145 : f32 to vector<64x16xf32>
    %ge3A_147 = arith.cmpf oge, %add3A_144, %ge3A_146 : vector<64x16xf32>
    %mul3A_148 = arith.constant 0.00999999977 : f32
    %mul3A_149 = vector.broadcast %mul3A_148 : f32 to vector<64x16xf32>
    %mul3A_150 = arith.mulf %mul3A_149, %add3A_144 : vector<64x16xf32>
    %select_n3A_151 = arith.select %ge3A_147, %add3A_144, %mul3A_150 : vector<64x16xi1>, vector<64x16xf32>
    %get3A_152 = arith.constant 1 : index
    %get3A_153 = arith.constant 0 : index
    %get3A_154 = arith.constant 0 : index
    %get3A_155 = vector.load %arg8[%get3A_152, %get3A_153, %get3A_154] : memref<8x16x16xf32, #tpu.memory_space<vmem>>, vector<1x16x16xf32>
    %get3A_156 = vector.shape_cast %get3A_155 : vector<1x16x16xf32> to vector<16x16xf32>
    %dot_general3A_157 = arith.constant dense<0.000000e+00> : vector<64x16xf32>
    %dot_general3A_158 = tpu.matmul %select_n3A_151, %get3A_156, %dot_general3A_157 {dimension_numbers = #tpu.dot_dimension_numbers<[1], [0], [0], [1], [0, 0, 1, 1], [], []>, transpose_lhs_hint = false} : vector<64x16xf32>, vector<16x16xf32>, vector<64x16xf32> -> vector<64x16xf32>
    %get3A_159 = arith.constant 1 : index
    %get3A_160 = arith.constant 0 : index
    %get3A_161 = vector.load %arg9[%get3A_159, %get3A_160] : memref<8x16xf32, #tpu.memory_space<vmem>>, vector<1x16xf32>
    %get3A_162 = vector.shape_cast %get3A_161 : vector<1x16xf32> to vector<16xf32>
    %broadcast_in_dim3A_163 = vector.shape_cast %get3A_162 : vector<16xf32> to vector<1x16xf32>
    %add3A_164 = vector.broadcast %broadcast_in_dim3A_163 : vector<1x16xf32> to vector<64x16xf32>
    %add3A_165 = arith.addf %dot_general3A_158, %add3A_164 : vector<64x16xf32>
    %ge3A_166 = arith.constant 0.000000e+00 : f32
    %ge3A_167 = vector.broadcast %ge3A_166 : f32 to vector<64x16xf32>
    %ge3A_168 = arith.cmpf oge, %add3A_165, %ge3A_167 : vector<64x16xf32>
    %mul3A_169 = arith.constant 0.00999999977 : f32
    %mul3A_170 = vector.broadcast %mul3A_169 : f32 to vector<64x16xf32>
    %mul3A_171 = arith.mulf %mul3A_170, %add3A_165 : vector<64x16xf32>
    %select_n3A_172 = arith.select %ge3A_168, %add3A_165, %mul3A_171 : vector<64x16xi1>, vector<64x16xf32>
    %get3A_173 = arith.constant 2 : index
    %get3A_174 = arith.constant 0 : index
    %get3A_175 = arith.constant 0 : index
    %get3A_176 = vector.load %arg8[%get3A_173, %get3A_174, %get3A_175] : memref<8x16x16xf32, #tpu.memory_space<vmem>>, vector<1x16x16xf32>
    %get3A_177 = vector.shape_cast %get3A_176 : vector<1x16x16xf32> to vector<16x16xf32>
    %dot_general3A_178 = arith.constant dense<0.000000e+00> : vector<64x16xf32>
    %dot_general3A_179 = tpu.matmul %select_n3A_172, %get3A_177, %dot_general3A_178 {dimension_numbers = #tpu.dot_dimension_numbers<[1], [0], [0], [1], [0, 0, 1, 1], [], []>, transpose_lhs_hint = false} : vector<64x16xf32>, vector<16x16xf32>, vector<64x16xf32> -> vector<64x16xf32>
    %get3A_180 = arith.constant 2 : index
    %get3A_181 = arith.constant 0 : index
    %get3A_182 = vector.load %arg9[%get3A_180, %get3A_181] : memref<8x16xf32, #tpu.memory_space<vmem>>, vector<1x16xf32>
    %get3A_183 = vector.shape_cast %get3A_182 : vector<1x16xf32> to vector<16xf32>
    %broadcast_in_dim3A_184 = vector.shape_cast %get3A_183 : vector<16xf32> to vector<1x16xf32>
    %add3A_185 = vector.broadcast %broadcast_in_dim3A_184 : vector<1x16xf32> to vector<64x16xf32>
    %add3A_186 = arith.addf %dot_general3A_179, %add3A_185 : vector<64x16xf32>
    %ge3A_187 = arith.constant 0.000000e+00 : f32
    %ge3A_188 = vector.broadcast %ge3A_187 : f32 to vector<64x16xf32>
    %ge3A_189 = arith.cmpf oge, %add3A_186, %ge3A_188 : vector<64x16xf32>
    %mul3A_190 = arith.constant 0.00999999977 : f32
    %mul3A_191 = vector.broadcast %mul3A_190 : f32 to vector<64x16xf32>
    %mul3A_192 = arith.mulf %mul3A_191, %add3A_186 : vector<64x16xf32>
    %select_n3A_193 = arith.select %ge3A_189, %add3A_186, %mul3A_192 : vector<64x16xi1>, vector<64x16xf32>
    %get3A_194 = arith.constant 3 : index
    %get3A_195 = arith.constant 0 : index
    %get3A_196 = arith.constant 0 : index
    %get3A_197 = vector.load %arg8[%get3A_194, %get3A_195, %get3A_196] : memref<8x16x16xf32, #tpu.memory_space<vmem>>, vector<1x16x16xf32>
    %get3A_198 = vector.shape_cast %get3A_197 : vector<1x16x16xf32> to vector<16x16xf32>
    %dot_general3A_199 = arith.constant dense<0.000000e+00> : vector<64x16xf32>
    %dot_general3A_200 = tpu.matmul %select_n3A_193, %get3A_198, %dot_general3A_199 {dimension_numbers = #tpu.dot_dimension_numbers<[1], [0], [0], [1], [0, 0, 1, 1], [], []>, transpose_lhs_hint = false} : vector<64x16xf32>, vector<16x16xf32>, vector<64x16xf32> -> vector<64x16xf32>
    %get3A_201 = arith.constant 3 : index
    %get3A_202 = arith.constant 0 : index
    %get3A_203 = vector.load %arg9[%get3A_201, %get3A_202] : memref<8x16xf32, #tpu.memory_space<vmem>>, vector<1x16xf32>
    %get3A_204 = vector.shape_cast %get3A_203 : vector<1x16xf32> to vector<16xf32>
    %broadcast_in_dim3A_205 = vector.shape_cast %get3A_204 : vector<16xf32> to vector<1x16xf32>
    %add3A_206 = vector.broadcast %broadcast_in_dim3A_205 : vector<1x16xf32> to vector<64x16xf32>
    %add3A_207 = arith.addf %dot_general3A_200, %add3A_206 : vector<64x16xf32>
    %ge3A_208 = arith.constant 0.000000e+00 : f32
    %ge3A_209 = vector.broadcast %ge3A_208 : f32 to vector<64x16xf32>
    %ge3A_210 = arith.cmpf oge, %add3A_207, %ge3A_209 : vector<64x16xf32>
    %mul3A_211 = arith.constant 0.00999999977 : f32
    %mul3A_212 = vector.broadcast %mul3A_211 : f32 to vector<64x16xf32>
    %mul3A_213 = arith.mulf %mul3A_212, %add3A_207 : vector<64x16xf32>
    %select_n3A_214 = arith.select %ge3A_210, %add3A_207, %mul3A_213 : vector<64x16xi1>, vector<64x16xf32>
    %get3A_215 = arith.constant 4 : index
    %get3A_216 = arith.constant 0 : index
    %get3A_217 = arith.constant 0 : index
    %get3A_218 = vector.load %arg8[%get3A_215, %get3A_216, %get3A_217] : memref<8x16x16xf32, #tpu.memory_space<vmem>>, vector<1x16x16xf32>
    %get3A_219 = vector.shape_cast %get3A_218 : vector<1x16x16xf32> to vector<16x16xf32>
    %dot_general3A_220 = arith.constant dense<0.000000e+00> : vector<64x16xf32>
    %dot_general3A_221 = tpu.matmul %select_n3A_214, %get3A_219, %dot_general3A_220 {dimension_numbers = #tpu.dot_dimension_numbers<[1], [0], [0], [1], [0, 0, 1, 1], [], []>, transpose_lhs_hint = false} : vector<64x16xf32>, vector<16x16xf32>, vector<64x16xf32> -> vector<64x16xf32>
    %get3A_222 = arith.constant 4 : index
    %get3A_223 = arith.constant 0 : index
    %get3A_224 = vector.load %arg9[%get3A_222, %get3A_223] : memref<8x16xf32, #tpu.memory_space<vmem>>, vector<1x16xf32>
    %get3A_225 = vector.shape_cast %get3A_224 : vector<1x16xf32> to vector<16xf32>
    %broadcast_in_dim3A_226 = vector.shape_cast %get3A_225 : vector<16xf32> to vector<1x16xf32>
    %add3A_227 = vector.broadcast %broadcast_in_dim3A_226 : vector<1x16xf32> to vector<64x16xf32>
    %add3A_228 = arith.addf %dot_general3A_221, %add3A_227 : vector<64x16xf32>
    %ge3A_229 = arith.constant 0.000000e+00 : f32
    %ge3A_230 = vector.broadcast %ge3A_229 : f32 to vector<64x16xf32>
    %ge3A_231 = arith.cmpf oge, %add3A_228, %ge3A_230 : vector<64x16xf32>
    %mul3A_232 = arith.constant 0.00999999977 : f32
    %mul3A_233 = vector.broadcast %mul3A_232 : f32 to vector<64x16xf32>
    %mul3A_234 = arith.mulf %mul3A_233, %add3A_228 : vector<64x16xf32>
    %select_n3A_235 = arith.select %ge3A_231, %add3A_228, %mul3A_234 : vector<64x16xi1>, vector<64x16xf32>
    %get3A_236 = arith.constant 5 : index
    %get3A_237 = arith.constant 0 : index
    %get3A_238 = arith.constant 0 : index
    %get3A_239 = vector.load %arg8[%get3A_236, %get3A_237, %get3A_238] : memref<8x16x16xf32, #tpu.memory_space<vmem>>, vector<1x16x16xf32>
    %get3A_240 = vector.shape_cast %get3A_239 : vector<1x16x16xf32> to vector<16x16xf32>
    %dot_general3A_241 = arith.constant dense<0.000000e+00> : vector<64x16xf32>
    %dot_general3A_242 = tpu.matmul %select_n3A_235, %get3A_240, %dot_general3A_241 {dimension_numbers = #tpu.dot_dimension_numbers<[1], [0], [0], [1], [0, 0, 1, 1], [], []>, transpose_lhs_hint = false} : vector<64x16xf32>, vector<16x16xf32>, vector<64x16xf32> -> vector<64x16xf32>
    %get3A_243 = arith.constant 5 : index
    %get3A_244 = arith.constant 0 : index
    %get3A_245 = vector.load %arg9[%get3A_243, %get3A_244] : memref<8x16xf32, #tpu.memory_space<vmem>>, vector<1x16xf32>
    %get3A_246 = vector.shape_cast %get3A_245 : vector<1x16xf32> to vector<16xf32>
    %broadcast_in_dim3A_247 = vector.shape_cast %get3A_246 : vector<16xf32> to vector<1x16xf32>
    %add3A_248 = vector.broadcast %broadcast_in_dim3A_247 : vector<1x16xf32> to vector<64x16xf32>
    %add3A_249 = arith.addf %dot_general3A_242, %add3A_248 : vector<64x16xf32>
    %ge3A_250 = arith.constant 0.000000e+00 : f32
    %ge3A_251 = vector.broadcast %ge3A_250 : f32 to vector<64x16xf32>
    %ge3A_252 = arith.cmpf oge, %add3A_249, %ge3A_251 : vector<64x16xf32>
    %mul3A_253 = arith.constant 0.00999999977 : f32
    %mul3A_254 = vector.broadcast %mul3A_253 : f32 to vector<64x16xf32>
    %mul3A_255 = arith.mulf %mul3A_254, %add3A_249 : vector<64x16xf32>
    %select_n3A_256 = arith.select %ge3A_252, %add3A_249, %mul3A_255 : vector<64x16xi1>, vector<64x16xf32>
    %get3A_257 = arith.constant 6 : index
    %get3A_258 = arith.constant 0 : index
    %get3A_259 = arith.constant 0 : index
    %get3A_260 = vector.load %arg8[%get3A_257, %get3A_258, %get3A_259] : memref<8x16x16xf32, #tpu.memory_space<vmem>>, vector<1x16x16xf32>
    %get3A_261 = vector.shape_cast %get3A_260 : vector<1x16x16xf32> to vector<16x16xf32>
    %dot_general3A_262 = arith.constant dense<0.000000e+00> : vector<64x16xf32>
    %dot_general3A_263 = tpu.matmul %select_n3A_256, %get3A_261, %dot_general3A_262 {dimension_numbers = #tpu.dot_dimension_numbers<[1], [0], [0], [1], [0, 0, 1, 1], [], []>, transpose_lhs_hint = false} : vector<64x16xf32>, vector<16x16xf32>, vector<64x16xf32> -> vector<64x16xf32>
    %get3A_264 = arith.constant 6 : index
    %get3A_265 = arith.constant 0 : index
    %get3A_266 = vector.load %arg9[%get3A_264, %get3A_265] : memref<8x16xf32, #tpu.memory_space<vmem>>, vector<1x16xf32>
    %get3A_267 = vector.shape_cast %get3A_266 : vector<1x16xf32> to vector<16xf32>
    %broadcast_in_dim3A_268 = vector.shape_cast %get3A_267 : vector<16xf32> to vector<1x16xf32>
    %add3A_269 = vector.broadcast %broadcast_in_dim3A_268 : vector<1x16xf32> to vector<64x16xf32>
    %add3A_270 = arith.addf %dot_general3A_263, %add3A_269 : vector<64x16xf32>
    %ge3A_271 = arith.constant 0.000000e+00 : f32
    %ge3A_272 = vector.broadcast %ge3A_271 : f32 to vector<64x16xf32>
    %ge3A_273 = arith.cmpf oge, %add3A_270, %ge3A_272 : vector<64x16xf32>
    %mul3A_274 = arith.constant 0.00999999977 : f32
    %mul3A_275 = vector.broadcast %mul3A_274 : f32 to vector<64x16xf32>
    %mul3A_276 = arith.mulf %mul3A_275, %add3A_270 : vector<64x16xf32>
    %select_n3A_277 = arith.select %ge3A_273, %add3A_270, %mul3A_276 : vector<64x16xi1>, vector<64x16xf32>
    %get3A_278 = arith.constant 7 : index
    %get3A_279 = arith.constant 0 : index
    %get3A_280 = arith.constant 0 : index
    %get3A_281 = vector.load %arg8[%get3A_278, %get3A_279, %get3A_280] : memref<8x16x16xf32, #tpu.memory_space<vmem>>, vector<1x16x16xf32>
    %get3A_282 = vector.shape_cast %get3A_281 : vector<1x16x16xf32> to vector<16x16xf32>
    %dot_general3A_283 = arith.constant dense<0.000000e+00> : vector<64x16xf32>
    %dot_general3A_284 = tpu.matmul %select_n3A_277, %get3A_282, %dot_general3A_283 {dimension_numbers = #tpu.dot_dimension_numbers<[1], [0], [0], [1], [0, 0, 1, 1], [], []>, transpose_lhs_hint = false} : vector<64x16xf32>, vector<16x16xf32>, vector<64x16xf32> -> vector<64x16xf32>
    %get3A_285 = arith.constant 7 : index
    %get3A_286 = arith.constant 0 : index
    %get3A_287 = vector.load %arg9[%get3A_285, %get3A_286] : memref<8x16xf32, #tpu.memory_space<vmem>>, vector<1x16xf32>
    %get3A_288 = vector.shape_cast %get3A_287 : vector<1x16xf32> to vector<16xf32>
    %broadcast_in_dim3A_289 = vector.shape_cast %get3A_288 : vector<16xf32> to vector<1x16xf32>
    %add3A_290 = vector.broadcast %broadcast_in_dim3A_289 : vector<1x16xf32> to vector<64x16xf32>
    %add3A_291 = arith.addf %dot_general3A_284, %add3A_290 : vector<64x16xf32>
    %ge3A_292 = arith.constant 0.000000e+00 : f32
    %ge3A_293 = vector.broadcast %ge3A_292 : f32 to vector<64x16xf32>
    %ge3A_294 = arith.cmpf oge, %add3A_291, %ge3A_293 : vector<64x16xf32>
    %mul3A_295 = arith.constant 0.00999999977 : f32
    %mul3A_296 = vector.broadcast %mul3A_295 : f32 to vector<64x16xf32>
    %mul3A_297 = arith.mulf %mul3A_296, %add3A_291 : vector<64x16xf32>
    %select_n3A_298 = arith.select %ge3A_294, %add3A_291, %mul3A_297 : vector<64x16xi1>, vector<64x16xf32>
    %get3A_299 = arith.constant 0 : index
    %get3A_300 = arith.constant 0 : index
    %get3A_301 = vector.load %arg10[%get3A_299, %get3A_300] : memref<16x2xf32, #tpu.memory_space<vmem>>, vector<16x2xf32>
    %dot_general3A_302 = arith.constant dense<0.000000e+00> : vector<64x2xf32>
    %dot_general3A_303 = tpu.matmul %select_n3A_298, %get3A_301, %dot_general3A_302 {dimension_numbers = #tpu.dot_dimension_numbers<[1], [0], [0], [1], [0, 0, 1, 1], [], []>, transpose_lhs_hint = false} : vector<64x16xf32>, vector<16x2xf32>, vector<64x2xf32> -> vector<64x2xf32>
    %get3A_304 = arith.constant 0 : index
    %get3A_305 = arith.constant 0 : index
    %get3A_306 = vector.load %arg11[%get3A_304, %get3A_305] : memref<1x2xf32, #tpu.memory_space<vmem>>, vector<1x2xf32>
    %add3A_307 = vector.broadcast %get3A_306 : vector<1x2xf32> to vector<64x2xf32>
    %add3A_308 = arith.addf %dot_general3A_303, %add3A_307 : vector<64x2xf32>
    %swap3A = arith.constant 0 : index
    %swap3A_309 = arith.constant 0 : index
    %swap3A_310 = vector.load %arg12[%swap3A, %swap3A_309] : memref<64x2xf32, #tpu.memory_space<vmem>>, vector<64x2xf32>
    tpu.vector_store %arg12[%swap3A, %swap3A_309], %add3A_308 {strides = array<i32>} : memref<64x2xf32, #tpu.memory_space<vmem>>, vector<64x2xf32>,
    return
  }
}

</mosaic_0001>

<sc_bundles>
// kernel: kernel.6.cloned.1.call-start
scs
__scs_entry_jumppad:
0x0: {  	(pc) =	sbr.rel $0x88, $3  }
0x1: {  	(tag) =	ssettag $0x0;
	lr =	simm.s32 $0x1  }
0x2: {  	[smem:$0x3F8F] =	sst lr;
	_ =	strace $0xD0000000  }
0x3: {  	_ = 	snop  }
0x4: {  	_ = 	snop  }
0x5: {  	_ = 	snop  }
0x6: {  	_ = 	snop  }
0x7: {  	_ = 	snop  }
__scs_overlays_trampoline_lowered:
0x8: {  	[smem:$0x3F9E] =	sst s0  }
0x9: {  	[smem:$0x3F9F] =	sst s1  }
0xa: {  	[smem:$0x3FA0] =	sst s2  }
0xb: {  	[smem:$0x3FA1] =	sst s3  }
0xc: {  	[smem:$0x3FA2] =	sst s4  }
0xd: {  	[smem:$0x3FA3] =	sst s5  }
0xe: {  	[smem:$0x3FA4] =	sst s6  }
0xf: {  	[smem:$0x3FA5] =	sst s7  }
0x10: {  	[smem:$0x3FA6] =	sst s8  }
0x11: {  	[smem:$0x3FA7] =	sst s9;
	s0 =	simm.s32 @!p0 $0x0  }
0x12: {  	s1 =	sld [smem:$0x3F8D];
	s0 =	simm.s32 @p0 $0x1  }
0x13: {  	[smem:$0x3FA8] =	sst s0;
	s0 =	simm.s32 @!p1 $0x0  }
0x14: {  	s2 =	sld [smem:$0x3F8C];
	s0 =	simm.s32 @p1 $0x1  }
0x15: {  	[smem:$0x3FA9] =	sst s0;
	s0 =	simm.s32 @!p2 $0x0  }
0x16: {  	s3 =	sld [smem:$0x3FDB];
	s0 =	simm.s32 @p2 $0x1  }
0x17: {  	s4 =	simm.s32 $0x1BF5;
	[smem:$0x3FAB] =	sst s0  }
0x18: {  	s0 =	sld [smem:$0x3F8E];
	_ =	swait.ge [sflag:s4], $0x0  }
0x19: {  	s7 =	sld [smem:$0x3F8F]  }
0x1a: {  	s8 =	sadd.s32 $0xFFFFE003, lr  }
0x1b: {  	s9 =	sadd.s32 $0xFFFFFEF7, lr;
	s5 =	simm.s32 $0xFFFFFFFF;
	p2 =	slt.u32 s8, $0xFFFFF086  }
0x1c: {  	p1 =	slt.u32 s9, $0xF7A;
	s5 =	simm.s32 @!p2 $0x0  }
0x1d: {  	s5 =	simm.s32 @p1 $0x1;
	p0 =	seq.s32 s7, s2  }
0x1e: {  	s7 =	smul.u32 @!p0 $0xF7A, s2;
	p2 =	seq.s32 @!p0 s5, $0x0  }
0x1f: {  	s9 =	smul.u32 $0xF7A, s1;
	s8 =	simm.s32 @!p0 $0x1BF5;
	p2 =	por !p2, p0  }
0x20: {  	[sflag:s8] =	ssyncset.s32 @!p0 $0xFFFFF086;
	s6 =	sadd.s32 @!p0 s3, s7;
	s7 =	simm.s32 @!p0 $0x108  }
0x21: {  	s3 =	sadd.s32 s3, s9;
	s6 =	sadd.s32 @!p0 $0x88, s6;
	s7 =	simm.s32 @p2 $0x1082  }
0x22: {  	[simem:s7], [sflag:s8] =	dma.local @!p0 [hbm:s6], $0xF7A  }
0x23: {  	s9 =	sor.u32 $0xD0000000, s2;
	s6 =	simm.s32 $0x108;
	_ =	swait.ge @!p0 [sflag:s8], $0x0  }
0x24: {  	s3 =	sadd.s32 $0x88, s3;
	s6 =	simm.s32 @!p1 $0x1082;
	[sflag:s4] =	ssyncset.s32 $0xFFFFF086  }
0x25: {  	[simem:s6], [sflag:s4] =	dma.local [hbm:s3], $0xF7A  }
0x26: {  	[smem:$0x3F8F] =	sst s1;
	(tag) =	ssettag s2;
	_ =	strace s9  }
0x27: {  	s1 =	sld [smem:$0x3F9F]  }
0x28: {  	s2 =	sld [smem:$0x3FA0]  }
0x29: {  	s4 =	sld [smem:$0x3FA2]  }
0x2a: {  	p0 =	seq.s32 s5, $0x0;
	s5 =	sld [smem:$0x3FA3]  }
0x2b: {  	s6 =	sld [smem:$0x3FA4]  }
0x2c: {  	s7 =	sld [smem:$0x3FA5]  }
0x2d: {  	s3 =	simm.s32 $0x108;
	s8 =	sld [smem:$0x3FA6]  }
0x2e: {  	s3 =	simm.s32 @!p0 $0x1082;
	s9 =	sld [smem:$0x3FA7]  }
0x2f: {  	lr =	sadd.s32 s0, s3;
	s0 =	sld [smem:$0x3F9E]  }
0x30: {  	s3 =	sld [smem:$0x3FA1]  }
0x31: {  	[smem:$0x3FAA] =	sst s10  }
0x32: {  	s10 =	sld [smem:$0x3FA8];
	_ =	sdelay $0x3  }
0x33: {  	p0 =	seq.s32 s10, $0x1;
	s10 =	sld [smem:$0x3FAA];
	_ =	sdelay $0x3  }
0x34: {  	[smem:$0x3FAA] =	sst s10  }
0x35: {  	s10 =	sld [smem:$0x3FA9];
	_ =	sdelay $0x3  }
0x36: {  	p1 =	seq.s32 s10, $0x1;
	s10 =	sld [smem:$0x3FAA];
	_ =	sdelay $0x3  }
0x37: {  	[smem:$0x3FAA] =	sst s10  }
0x38: {  	s10 =	sld [smem:$0x3FAB]  }
0x39: {  	_ = 	snop;
	(pc) =	sbr.ind lr, $3  }
0x3a: {  	_ = 	snop  }
0x3b: {  	_ = 	snop  }
0x3c: {  	p2 =	seq.s32 s10, $0x1;
	s10 =	sld [smem:$0x3FAA]  }
0x3d: {  	_ =	shalt  }
0x3e: {  	_ =	shalt  }
0x3f: {  	_ =	shalt  }
0x40: {  	_ =	shalt  }
0x41: {  	_ =	shalt  }
0x42: {  	_ =	shalt  }
0x43: {  	_ =	shalt  }
0x44: {  	_ =	shalt  }
0x45: {  	_ =	shalt  }
0x46: {  	_ =	shalt  }
0x47: {  	_ =	shalt  }
0x48: {  	_ =	shalt  }
0x49: {  	_ =	shalt  }
0x4a: {  	_ =	shalt  }
0x4b: {  	_ =	shalt  }
0x4c: {  	_ =	shalt  }
0x4d: {  	_ =	shalt  }
0x4e: {  	_ =	shalt  }
0x4f: {  	_ =	shalt  }
0x50: {  	_ =	shalt  }
0x51: {  	_ =	shalt  }
0x52: {  	_ =	shalt  }
0x53: {  	_ =	shalt  }
0x54: {  	_ =	shalt  }
0x55: {  	_ =	shalt  }
0x56: {  	_ =	shalt  }
0x57: {  	_ =	shalt  }
0x58: {  	_ =	shalt  }
0x59: {  	_ =	shalt  }
0x5a: {  	_ =	shalt  }
0x5b: {  	_ =	shalt  }
0x5c: {  	_ =	shalt  }
0x5d: {  	_ =	shalt  }
0x5e: {  	_ =	shalt  }
0x5f: {  	_ =	shalt  }
0x60: {  	_ =	shalt  }
0x61: {  	_ =	shalt  }
0x62: {  	_ =	shalt  }
0x63: {  	_ =	shalt  }
0x64: {  	_ =	shalt  }
0x65: {  	_ =	shalt  }
0x66: {  	_ =	shalt  }
0x67: {  	_ =	shalt  }
0x68: {  	_ =	shalt  }
0x69: {  	_ =	shalt  }
0x6a: {  	_ =	shalt  }
0x6b: {  	_ =	shalt  }
0x6c: {  	_ =	shalt  }
0x6d: {  	_ =	shalt  }
0x6e: {  	_ =	shalt  }
0x6f: {  	_ =	shalt  }
0x70: {  	_ =	shalt  }
0x71: {  	_ =	shalt  }
0x72: {  	_ =	shalt  }
0x73: {  	_ =	shalt  }
0x74: {  	_ =	shalt  }
0x75: {  	_ =	shalt  }
0x76: {  	_ =	shalt  }
0x77: {  	_ =	shalt  }
0x78: {  	_ =	shalt  }
0x79: {  	_ =	shalt  }
0x7a: {  	_ =	shalt  }
0x7b: {  	_ =	shalt  }
0x7c: {  	_ =	shalt  }
0x7d: {  	_ =	shalt  }
0x7e: {  	_ =	shalt  }
0x7f: {  	_ =	shalt  }
0x80: {  	_ =	shalt  }
0x81: {  	_ =	shalt  }
0x82: {  	_ =	shalt  }
0x83: {  	_ =	shalt  }
0x84: {  	_ =	shalt  }
0x85: {  	_ =	shalt  }
0x86: {  	_ =	shalt  }
0x87: {  	_ =	shalt  }
.Lfunc_end0:
.L_simem_size_0:
called_computation_lowered:
.L_overlay_start_0:
0x88: {  	s2 =	sld [smem:$0x3FD9]  }
0x89: {  	s3 =	sld [smem:$0x3FFE];
	_ =	sdelay $0x1  }
0x8a: {  	s1 =	srdreg.scid  }
0x8b: {  	s0 =	sand.u32 $0x1, s1  }
0x8c: {  	s16 =	sshll.u32 s0, $0xA;
	s2 =	sadd.s32 s3, s2  }
0x8d: {  	s2 =	sadd.s32 s2, s16  }
0x8e: {  	[smem:$0x3FB6] =	sst s2  }
0x8f: {  	_ = 	snop  }
0x90: {  	(tm) =	ssettm $0x1  }
0x91: {  	s17 =	sld [smem:$0x3FFB];
	_ =	sdelay $0x3  }
0x92: {  	_ =	strace s17  }
0x93: {  	s2 =	sld [smem:$0x3FFC];
	_ =	sdelay $0x3  }
0x94: {  	_ =	strace s2  }
0x95: {  	s2 =	sld [smem:$0x3FFD];
	_ =	sdelay $0x3  }
0x96: {  	_ =	strace s2  }
0x97: {  	_ =	strace $0x8FFFFFFF  }
0x98: {  	s18 =	sld [smem:$0x3FDB];
	_ =	sdelay $0x1  }
0x99: {  	s19 =	simm.s32 $_scs_section_size  }
0x9a: {  	s4 =	simm.s32 $_size__tile_overlayer_lowered;
	s5 =	simm.s32 $_tile_overlayer_lowered  }
0x9b: {  	s22 =	simm.s32 $0x1BFF;
	s21 =	sshll.u32 s5, $0x1;
	s2 =	sadd.s32 s19, s18  }
0x9c: {  	s6 =	simm.s32 $0x0;
	s20 =	sshll.u32 s4, $0x1;
	s4 =	sadd.s32 s21, s2  }
0x9d: {  	[timem:s6], [sflag:s22] =	dma.local [hbm:s4], s20  }
0x9e: {  	_ =	swait.ge [sflag:s22], s20  }
0x9f: {  	s3 =	ssub.s32 $0x0, s20;
	[sflag:s22] =	ssyncset.done $0x0  }
0xa0: {  	[sflag:s22] =	ssyncadd.s32 s3;
	_ =	sdelay $0x1  }
0xa1: {  	s23 =	simm.s32 $0x1B8B  }
0xa2: {  	_ =	swait.ge [sflag:s23], $0x1  }
0xa3: {  	[sflag:s23] =	ssyncset.done $0x0  }
0xa4: {  	s25 =	simm.s32 $0x1B8E;
	s24 =	sld [smem:$0x3FFE];
	[sflag:s23] =	ssyncadd.s32 $0xFFFFFFFF  }
0xa5: {  	s26 =	simm.s32 $execute0_lowered;
	[smem:$0x3FD2] =	sst s25  }
0xa6: {  	s4 =	sshll.u32 s26, $0x1;
	_ =	strace $0x80000046;
	[dreg:$0x1] =	wrdreg $0xFFFFFFFF  }
0xa7: {  	s28 =	simm.s32 $_size_execute0_lowered;
	s2 =	sadd.s32 s2, s4;
	[dreg:$0x0] =	wrdreg $0x0  }
0xa8: {  	s4 =	sshll.u32 s28, $0x1;
	[dreg:$0x2] =	wrdreg s2  }
0xa9: {  	[dreg:$0x3] =	wrdreg s4  }
0xaa: {  	[dreg:$0x4] =	wrdreg $0xC0  }
0xab: {  	_ =	task [dreg:s6], $0x5FFFF  }
0xac: {  	[dreg:$0x1] =	wrdreg $0xFFFFFFFF  }
0xad: {  	[dreg:$0x0] =	wrdreg $0x60  }
0xae: {  	[dreg:$0x2] =	wrdreg s24  }
0xaf: {  	[dreg:$0x3] =	wrdreg $0x9  }
0xb0: {  	_ =	task.clear_ibuf [dreg:s6], $0x4FFFF;
	_ =	strace $0x90000046  }
0xb1: {  	s29 =	simm.s32 $0x9;
	_ =	strace $0x80000048  }
0xb2: {  	_ =	swait.ge [sflag:s29], $0x1  }
0xb3: {  	[sflag:s29] =	ssyncadd.s32 $0xFFFFFFFF  }
0xb4: {  	_ =	strace $0x90000048  }
0xb5: {  	_ =	sfence  }
0xb6: {  	s30 =	sld [smem:$0x0];
	_ =	sdelay $0x2  }
0xb7: {  	s31 =	sshll.u32 s1, $0xD;
	s1 =	sshrl.u32 s1, $0x2  }
0xb8: {  	s3 =	sand.u32 $0x4000, s31;
	s1 =	sadd.s32 s1, s30  }
0xb9: {  	s0 =	sor.u32 s3, s0;
	s1 =	sshll.u32 s1, $0x11  }
0xba: {  	s0 =	sor.u32 s1, s0  }
0xbb: {  	s0 =	sadd.s32 $0x8F2B, s0  }
0xbc: {  	[sflag:s0] =	ssyncadd.remote.s32 $0x1  }
0xbd: {  	_ =	sfence.sel $0xFFFF  }
0xbe: {  	[dreg:$0x0] =	wrdreg $0xFFFFFFFF;
	(pc) =	sbr.abs _section_cstart, $3  }
0xbf: {  	[dreg:$0x1] =	wrdreg $0xFFFFFFFF  }
0xc0: {  	_ =	task.clear_ibuf [dreg:s6], $0x2FFFF;
	_ =	strace $0x9FFFFFFF  }
0xc1: {  	(tm) =	ssettm $0x7FFFFFFF  }
tec
execute0_lowered:
.L_overlay_start_1:
0x0: {  	(tag) =	ssettag $0x1  }
0x1: {  	s1 =	srdreg.scid  }
0x2: {  	s0 =	stileid.u32;
	s7 =	rddreg [dreg:$0x0];
	s2 =	simm.s32 $0x0  }
0x3: {  	s14 =	simm.s32 $0x4F00;
	s15 =	simm.s32 $0xC580;
	s4 =	smul.u32 $0x9C4, s0  }
0x4: {  	s3 =	sand.u32 $0x1, s1;
	s9 =	smul.u32 $0x4F00, s0;
	s1 =	rddreg [dreg:$0x1]  }
0x5: {  	s16 =	simm.s32 $0x1;
	[smem:$0x7FF] =	sst s2;
	s5 =	smul.u32 $0x9C400, s3  }
0x6: {  	s25 =	sadd.s32 $0x29C00, s7;
	s18 =	sshll.u32 s0, $0x4;
	s6 =	smul.u32 $0x4F000, s3  }
0x7: {  	_ =	strace $0x80000047;
	s28 =	ssub.s32 $0x2, s3;
	s29 =	smul.u32 $0x180, s3  }
0x8: {  	s12 =	smul.u32 $0x30, s3;
	s19 =	sadd.s32 $0x2780, s18;
	s20 =	sadd.s32 $0x7680, s18  }
0x9: {  	s21 =	sor.u32 $0x9E00, s18;
	s22 =	sor.u32 $0x4F00, s18;
	v1 =	vmov s18;
	s18 =	simm.s32 $0x7680  }
0xa: {  	s8 =	sshrl.u32 s4, $0x4;
	s4 =	sadd.s32 $0x9C4, s4;
	s30 =	sshrl.u32 s28, $0x1  }
0xb: {  	v2 =	vmov s19;
	s19 =	simm.s32 $0x9E00;
	v3 =	vmov s20;
	s20 =	simm.s32 $0x100;
	v4 =	vmov s21;
	s21 =	simm.s32 $0x3  }
0xc: {  	v5 =	vmov s22;
	s22 =	simm.s32 $0x0;
	s10 =	sshll.u32 s8, $0x8;
	s6 =	sadd.s32 s9, s6  }
0xd: {  	s4 =	sshrl.u32 s4, $0x4;
	s13 =	ssub.s32 s28, s30;
	s31 =	sshrl.u32 s29, $0x3  }
0xe: {  	s5 =	sadd.s32 s5, s10;
	s6 =	sshrl.u32 s6, $0x3;
	s17 =	ssub.s32 s4, s8  }
0xf: {  	s4 =	sadd.s32 s25, s12;
	s10 =	smax.u32 s13, $0x1;
	s12 =	simm.s32 $0x400  }
.Ltmp0:
0x10: {  	s13 =	simm.s32 $0x2780;
	s5 =	sshrl.u32 s5, $0x3;
	(pc) =	sbr.rel .LBB2_1-.Ltmp0, $4  }
0x11: {  	s11 =	sadd.s32 s6, s7;
	s3 =	sshll.u32 s17, $0x3;
	s6 =	sadd.s32 s25, s31  }
0x12: {  	p0 =	slt.s32 s17, $0x1;
	s17 =	simm.s32 $0x2;
	s26 =	sadd.s32 s5, s7  }
0x13: {  	s5 =	sadd.s32 $0x10, s6;
	s6 =	sadd.s32 $0x20, s6;
	s8 =	sadd.s32 $0x2C400, s11  }
0x14: {  	v0 =	vimm.f32 $0.0e+00;
	s9 =	sadd.s32 $0x2C410, s11;
	s11 =	simm.s32 $0x80;
	s7 =	sadd.s32 $0x2A00, s26  }
.LBB2_8:
0x15: {  	v18 =	vmul.f32 $2.000000030e-01, v26  }
0x16: {  	v28 =	vmul.f32 $2.000000030e-01, v27;
	v22 =	vadd.f32 v22, v24  }
0x17: {  	v18 =	vmax.f32 v26, v18  }
0x18: {  	v52 =	vmax.f32 v27, v28;
	v53 =	vmul.f32 $2.000000030e-01, v22;
	v18 =	vmul.f32 $1.442695020e+00, v18  }
0x19: {  	v24 =	vmul.f32 $1.442695020e+00, v52  }
0x1a: {  	[tilespmem:v9+s18+$0x0] =	vst.idx.add.f32.msk $0xffff, v25;
	v54 =	vpop (erf);
	v22 =	vmax.f32 v22, v53;
	(erf) = vpow2.f32 v18  }
0x1b: {  	[tilespmem:v8+s18+$0x0] =	vst.idx.add.f32.msk $0xffff, v54;
	v22 =	vmul.f32 $1.442695020e+00, v22;
	(erf) = vpow2.f32 v24  }
0x1c: {  	v55 =	vpop (erf);
	[tilespmem:v9+s19+$0x0] =	vst.idx.add.f32.msk $0xffff, v21  }
0x1d: {  	[tilespmem:v7+s18+$0x0] =	vst.idx.add.f32.msk $0xffff, v55;
	v56 =	vpop (erf);
	(erf) = vpow2.f32 v22  }
0x1e: {  	v62 =	vmul.f32 v55, v19;
	v58 =	vpop (erf);
	[tilespmem:v12+s18+$0x0] =	vst.idx.add.f32.msk $0xffff, v56  }
0x1f: {  	v57 =	vmul.f32 v56, v15;
	[tilespmem:v10+s18+$0x0] =	vst.idx.add.f32.msk $0xffff, v58  }
0x20: {  	v59 =	vmul.f32 v58, v20;
	[tilespmem:v7+s19+$0x0] =	vst.idx.add.f32.msk $0xffff, v62  }
0x21: {  	v18 =	vmul.f32 v54, v23;
	[tilespmem:v12+s19+$0x0] =	vst.idx.add.f32.msk $0xffff, v57  }
0x22: {  	[tilespmem:v10+s19+$0x0] =	vst.idx.add.f32.msk $0xffff, v59  }
0x23: {  	[tilespmem:v8+s19+$0x0] =	vst.idx.add.f32.msk $0xffff, v18;
	v60 =	vpop (erf)  }
0x24: {  	[tilespmem:v13+s18+$0x0] =	vst.idx.add.f32.msk $0xffff, v60;
	v8 =	vmul.f32 v60, v14;
	v61 =	vpop (erf)  }
0x25: {  	[tilespmem:v6+s18+$0x0] =	vst.idx.add.f32.msk $0xffff, v61  }
0x26: {  	v9 =	vmul.f32 v61, v17;
	v63 =	vpop (erf);
	[tilespmem:v13+s19+$0x0] =	vst.idx.add.f32.msk $0xffff, v8  }
0x27: {  	v7 =	vmul.f32 v63, v16;
	[tilespmem:v11+s18+$0x0] =	vst.idx.add.f32.msk $0xffff, v63  }
0x28: {  	[tilespmem:v6+s19+$0x0] =	vst.idx.add.f32.msk $0xffff, v9  }
0x29: {  	[tilespmem:v11+s19+$0x0] =	vst.idx.add.f32.msk $0xffff, v7  }
.LBB2_9:
0x2a: {  	[hbm4b:s8+s11] =	stream.strided.scatter [tilespmem:s18], [sflag:$0x3], $0x2780, s20, s11, $0x38;
	[tilespmem:$0x16280] =	vst v63  }
0x2b: {  	s22 =	sadd.s32 $0x1, s22  }
0x2c: {  	[hbm4b:s9+s11] =	stream.strided.scatter [tilespmem:s19], [sflag:$0x3], $0x2780, s20, s11, $0x38;
	[tilespmem:$0x16280] =	vst v63  }
0x2d: {  	p1 =	seq.s32 s22, s10;
	_ =	swait.ge [sflag:s21], $0x2780  }
.Ltmp1:
0x2e: {  	[sflag:s21] =	ssyncset.done $0x0;
	(pc) =	sbr.rel @p1 .LBB2_10-.Ltmp1, $4  }
0x2f: {  	[sflag:s21] =	ssyncadd.s32 $0xFFFFD880  }
0x30: {  	_ =	swait.ge [sflag:s21], $0x2780  }
0x31: {  	[sflag:s21] =	ssyncset.done $0x0  }
0x32: {  	[sflag:s21] =	ssyncadd.s32 $0xFFFFD880  }
.LBB2_1:
0x33: {  	[tilespmem:s2], [sflag:$0x1] =	stream.strided.gather [hbm4b:s4+s11], $0x2780, s12, s11, $0x38;
	[tilespmem:$0x16280] =	vst v63  }
0x34: {  	_ = 	snop  }
0x35: {  	[tilespmem:s13], [sflag:$0x1] =	stream.strided.gather [hbm4b:s5+s11], $0x2780, s12, s11, $0x38;
	[tilespmem:$0x16280] =	vst v63  }
0x36: {  	_ = 	snop  }
0x37: {  	[tilespmem:s14], [sflag:$0x1] =	stream.strided.gather [hbm4b:s6+s11], $0x2780, s12, s11, $0x38;
	[tilespmem:$0x16280] =	vst v63  }
0x38: {  	s24 =	simm.s32 $0x7740  }
0x39: {  	[tilespmem:s15], [sflag:$0x2] =	stream.linear.gather [hbm4b:s7+s2], $0x9D00, $0x38;
	[tilespmem:$0x16280] =	vst v63  }
0x3a: {  	[tilespmem:s24+$0xFFFFFF50] =	vst v0  }
0x3b: {  	[tilespmem:s24+$0xFFFFFF60] =	vst v0  }
0x3c: {  	[tilespmem:s24+$0xFFFFFF70] =	vst v0  }
0x3d: {  	[tilespmem:s24+$0xFFFFFF80] =	vst v0  }
0x3e: {  	[tilespmem:s24+$0xFFFFFF90] =	vst v0  }
0x3f: {  	[tilespmem:s24+$0xFFFFFFA0] =	vst v0  }
0x40: {  	[tilespmem:s24+$0xFFFFFFB0] =	vst v0  }
0x41: {  	[tilespmem:s24+$0xFFFFFFD0] =	vst v0  }
0x42: {  	[tilespmem:s24+$0xFFFFFFE0] =	vst v0  }
0x43: {  	[tilespmem:s24+$0xFFFFFFF0] =	vst v0  }
0x44: {  	[tilespmem:s24+$0x0] =	vst v0  }
0x45: {  	[tilespmem:s24+$0x10] =	vst v0  }
0x46: {  	[tilespmem:s24+$0x20] =	vst v0  }
0x47: {  	[tilespmem:s24+$0x30] =	vst v0  }
0x48: {  	[tilespmem:s24+$0x50] =	vst v0  }
0x49: {  	[tilespmem:s24+$0x60] =	vst v0  }
0x4a: {  	[tilespmem:s24+$0x70] =	vst v0  }
0x4b: {  	[tilespmem:s24+$0x80] =	vst v0  }
0x4c: {  	[tilespmem:s24+$0x90] =	vst v0  }
0x4d: {  	[tilespmem:s24+$0xA0] =	vst v0  }
0x4e: {  	[tilespmem:s24+$0xB0] =	vst v0  }
0x4f: {  	s26 =	sand.u32 $0x3FF0, s2;
	[tilespmem:s24+$0xFFFFFF40] =	vst v0  }
0x50: {  	[tilespmem:s26+$0x9F80] =	vst v0  }
0x51: {  	[tilespmem:s26+$0x7700] =	vst v0  }
0x52: {  	[tilespmem:s26+$0x9E80] =	vst v0  }
0x53: {  	[tilespmem:s26+$0x7780] =	vst v0  }
0x54: {  	[tilespmem:s26+$0x9F00] =	vst v0  }
0x55: {  	s23 =	simm.s32 $0x9EC0;
	[tilespmem:s26+$0x7800] =	vst v0  }
0x56: {  	[tilespmem:s23+$0xFFFFFF50] =	vst v0  }
0x57: {  	[tilespmem:s23+$0xFFFFFF60] =	vst v0  }
0x58: {  	[tilespmem:s23+$0xFFFFFF70] =	vst v0  }
0x59: {  	[tilespmem:s23+$0xFFFFFF80] =	vst v0  }
0x5a: {  	[tilespmem:s23+$0xFFFFFF90] =	vst v0  }
0x5b: {  	[tilespmem:s23+$0xFFFFFFA0] =	vst v0  }
0x5c: {  	[tilespmem:s23+$0xFFFFFFB0] =	vst v0  }
0x5d: {  	[tilespmem:s23+$0xFFFFFFD0] =	vst v0  }
0x5e: {  	[tilespmem:s23+$0xFFFFFFE0] =	vst v0  }
0x5f: {  	[tilespmem:s23+$0xFFFFFFF0] =	vst v0  }
0x60: {  	[tilespmem:s23+$0x0] =	vst v0  }
0x61: {  	[tilespmem:s23+$0x10] =	vst v0  }
0x62: {  	[tilespmem:s23+$0x20] =	vst v0  }
0x63: {  	[tilespmem:s23+$0x30] =	vst v0  }
0x64: {  	[tilespmem:s23+$0x50] =	vst v0  }
0x65: {  	[tilespmem:s23+$0x60] =	vst v0  }
0x66: {  	[tilespmem:s23+$0x70] =	vst v0  }
0x67: {  	[tilespmem:s23+$0x80] =	vst v0  }
0x68: {  	[tilespmem:s23+$0x90] =	vst v0  }
0x69: {  	[tilespmem:s23+$0xA0] =	vst v0  }
0x6a: {  	[tilespmem:s23+$0xB0] =	vst v0  }
0x6b: {  	s25 =	simm.s32 $0x78D0;
	s24 =	simm.s32 $0x0;
	s26 =	simm.s32 $0x0;
	[tilespmem:s23+$0xFFFFFF40] =	vst v0  }
.LBB2_2:
0x6c: {  	[tilespmem:s25+$0xFFFFFF50] =	vst v0;
	s23 =	sadd.s32 $0x190, s23  }
0x6d: {  	[tilespmem:s23+$0xFFFFFF50] =	vst v0  }
0x6e: {  	[tilespmem:s25+$0xFFFFFF60] =	vst v0  }
0x6f: {  	[tilespmem:s23+$0xFFFFFF60] =	vst v0  }
0x70: {  	[tilespmem:s25+$0xFFFFFF70] =	vst v0  }
0x71: {  	[tilespmem:s23+$0xFFFFFF70] =	vst v0  }
0x72: {  	[tilespmem:s25+$0xFFFFFF80] =	vst v0  }
0x73: {  	[tilespmem:s23+$0xFFFFFF80] =	vst v0  }
0x74: {  	[tilespmem:s25+$0xFFFFFF90] =	vst v0  }
0x75: {  	[tilespmem:s23+$0xFFFFFF90] =	vst v0  }
0x76: {  	[tilespmem:s25+$0xFFFFFFA0] =	vst v0  }
0x77: {  	[tilespmem:s23+$0xFFFFFFA0] =	vst v0  }
0x78: {  	[tilespmem:s25+$0xFFFFFFB0] =	vst v0  }
0x79: {  	[tilespmem:s23+$0xFFFFFFB0] =	vst v0  }
0x7a: {  	[tilespmem:s25+$0xFFFFFFD0] =	vst v0  }
0x7b: {  	[tilespmem:s23+$0xFFFFFFD0] =	vst v0  }
0x7c: {  	[tilespmem:s25+$0xFFFFFFE0] =	vst v0  }
0x7d: {  	[tilespmem:s23+$0xFFFFFFE0] =	vst v0  }
0x7e: {  	[tilespmem:s25+$0xFFFFFFF0] =	vst v0  }
0x7f: {  	[tilespmem:s23+$0xFFFFFFF0] =	vst v0  }
0x80: {  	[tilespmem:s25+$0x0] =	vst v0  }
0x81: {  	[tilespmem:s23+$0x0] =	vst v0  }
0x82: {  	[tilespmem:s25+$0x10] =	vst v0  }
0x83: {  	[tilespmem:s23+$0x10] =	vst v0  }
0x84: {  	[tilespmem:s25+$0x20] =	vst v0  }
0x85: {  	[tilespmem:s23+$0x20] =	vst v0  }
0x86: {  	[tilespmem:s25+$0x30] =	vst v0  }
0x87: {  	[tilespmem:s23+$0x30] =	vst v0  }
0x88: {  	[tilespmem:s25+$0x50] =	vst v0  }
0x89: {  	[tilespmem:s23+$0x50] =	vst v0  }
0x8a: {  	[tilespmem:s25+$0x60] =	vst v0  }
0x8b: {  	[tilespmem:s23+$0x60] =	vst v0  }
0x8c: {  	[tilespmem:s25+$0x70] =	vst v0  }
0x8d: {  	[tilespmem:s23+$0x70] =	vst v0  }
0x8e: {  	[tilespmem:s25+$0x80] =	vst v0  }
0x8f: {  	[tilespmem:s23+$0x80] =	vst v0  }
0x90: {  	[tilespmem:s25+$0x90] =	vst v0  }
0x91: {  	[tilespmem:s23+$0x90] =	vst v0  }
0x92: {  	[tilespmem:s25+$0xA0] =	vst v0  }
0x93: {  	[tilespmem:s23+$0xA0] =	vst v0  }
0x94: {  	[tilespmem:s25+$0xB0] =	vst v0  }
0x95: {  	[tilespmem:s23+$0xB0] =	vst v0  }
0x96: {  	s26 =	sadd.s32 $0x190, s26;
	[tilespmem:s25+$0xFFFFFF40] =	vst v0  }
0x97: {  	s24 =	sadd.s32 $0x19, s24;
	s28 =	sand.u32 $0x3FF0, s26;
	[tilespmem:s23+$0xFFFFFF40] =	vst v0  }
0x98: {  	p1 =	slt.u32 s24, $0x258;
	s25 =	sadd.s32 $0x190, s25;
	[tilespmem:s28+$0x9F80] =	vst v0  }
.Ltmp2:
0x99: {  	[tilespmem:s28+$0x7700] =	vst v0;
	(pc) =	sbr.rel @p1 .LBB2_2-.Ltmp2, $4  }
0x9a: {  	[tilespmem:s28+$0x9E80] =	vst v0  }
0x9b: {  	[tilespmem:s28+$0x7780] =	vst v0  }
0x9c: {  	[tilespmem:s28+$0x9F00] =	vst v0  }
0x9d: {  	[tilespmem:s28+$0x7800] =	vst v0  }
0x9e: {  	_ =	swait.ge [sflag:s16], $0x2780  }
0x9f: {  	[sflag:s16] =	ssyncset.done $0x0  }
0xa0: {  	[sflag:s16] =	ssyncadd.s32 $0xFFFFD880  }
0xa1: {  	_ =	swait.ge [sflag:s16], $0x2780  }
0xa2: {  	[sflag:s16] =	ssyncset.done $0x0  }
0xa3: {  	[sflag:s16] =	ssyncadd.s32 $0xFFFFD880  }
0xa4: {  	_ =	swait.ge [sflag:s16], $0x2780  }
0xa5: {  	[sflag:s16] =	ssyncset.done $0x0  }
0xa6: {  	[sflag:s16] =	ssyncadd.s32 $0xFFFFD880  }
0xa7: {  	_ =	swait.ge [sflag:s17], $0x9D00  }
0xa8: {  	p2 =	sgt.u32 s0, $0x270;
	[sflag:s17] =	ssyncset.done $0x0  }
0xa9: {  	s23 =	simm.s32 @!p2 $0x0;
	[sflag:s17] =	ssyncadd.s32 $0xFFFF6300  }
0xaa: {  	p1 =	por p2, p2;
	v6 =	vld.idx.msk @!p2 [tilespmem:v1+s23+$0x0 ss:$0x1], $0xffff  }
0xab: {  	v7 =	vld.idx.msk @!p1 [tilespmem:v2+s23+$0x0 ss:$0x1], $0xffff;
	_ =	sdelay $0x4  }
0xac: {  	v6 =	vadd.f32 @!p1 v7, v6;
	_ =	sdelay $0x1  }
0xad: {  	v7 =	vmul.f32 @!p1 $2.000000030e-01, v6;
	_ =	sdelay $0x1  }
0xae: {  	v6 =	vmax.f32 @!p1 v6, v7  }
0xaf: {  	v6 =	vmul.f32 @!p1 $1.442695020e+00, v6;
	_ =	sdelay $0x1  }
0xb0: {  	(erf) = vpow2.f32 @!p1 v6;
	_ =	sdelay $0x4  }
0xb1: {  	v6 =	vld.idx.msk @!p1 [tilespmem:v3+s23+$0x0 ss:$0x1], $0xffff;
	_ =	sdelay $0x3  }
0xb2: {  	v7 =	vpop @!p2 (erf)  }
0xb3: {  	v6 =	vadd.f32 @!p1 v7, v6;
	_ =	sdelay $0x1  }
0xb4: {  	[tilespmem:v3+s23+$0x0 ss:$0x1] =	vst.idx.msk @!p1 $0xffff, v6  }
0xb5: {  	v6 =	vld.idx.msk @!p1 [tilespmem:v5+s23+$0x0 ss:$0x1], $0xffff;
	_ =	sdelay $0x1  }
0xb6: {  	v8 =	vld.idx.msk @!p1 [tilespmem:v4+s23+$0x0 ss:$0x1], $0xffff;
	_ =	sdelay $0x2  }
0xb7: {  	v6 =	vmul.f32 @!p1 v7, v6;
	_ =	sdelay $0x1  }
0xb8: {  	s24 =	simm.s32 $0x400;
	s25 =	simm.s32 $0x800;
	s26 =	sadd.s32 $0x10, s0;
	v6 =	vadd.f32 @!p1 v6, v8  }
.LBB2_4:
0xb9: {  	p3 =	sgt.u32 s26, $0x270;
	s28 =	smov.u32 s25;
	s25 =	sadd.s32 $0x400, s25  }
0xba: {  	p2 =	seq.s32 s25, $0xA000;
	[tilespmem:v4+s23+$0x0 ss:$0x1] =	vst.idx.msk @!p1 $0xffff, v6;
	s23 =	sshra.s32 @!p3 s24, $0x2;
	s24 =	smov.u32 s28  }
0xbb: {  	p1 =	por p3, p3;
	v6 =	vld.idx.msk @!p3 [tilespmem:v1+s23+$0x0 ss:$0x1], $0xffff  }
0xbc: {  	v7 =	vld.idx.msk @!p1 [tilespmem:v2+s23+$0x0 ss:$0x1], $0xffff;
	_ =	sdelay $0x5  }
0xbd: {  	v6 =	vadd.f32 @!p1 v7, v6;
	_ =	sdelay $0x1  }
0xbe: {  	v7 =	vmul.f32 @!p1 $2.000000030e-01, v6;
	_ =	sdelay $0x1  }
0xbf: {  	v6 =	vmax.f32 @!p1 v6, v7  }
0xc0: {  	v6 =	vmul.f32 @!p1 $1.442695020e+00, v6;
	_ =	sdelay $0x1  }
0xc1: {  	(erf) = vpow2.f32 @!p1 v6;
	_ =	sdelay $0x2  }
0xc2: {  	v6 =	vld.idx.msk @!p1 [tilespmem:v3+s23+$0x0 ss:$0x1], $0xffff;
	_ =	sdelay $0x5  }
0xc3: {  	v7 =	vpop @!p3 (erf)  }
0xc4: {  	v6 =	vadd.f32 @!p1 v7, v6;
	_ =	sdelay $0x1  }
0xc5: {  	[tilespmem:v3+s23+$0x0 ss:$0x1] =	vst.idx.msk @!p1 $0xffff, v6  }
0xc6: {  	v6 =	vld.idx.msk @!p1 [tilespmem:v5+s23+$0x0 ss:$0x1], $0xffff  }
0xc7: {  	v8 =	vld.idx.msk @!p1 [tilespmem:v4+s23+$0x0 ss:$0x1], $0xffff;
	_ =	sdelay $0x2  }
.Ltmp3:
0xc8: {  	(pc) =	sbr.rel @!p2 .LBB2_4-.Ltmp3, $3  }
0xc9: {  	_ = 	snop  }
0xca: {  	v6 =	vmul.f32 @!p1 v7, v6;
	_ =	sdelay $0x1  }
0xcb: {  	s26 =	sadd.s32 $0x10, s26;
	v6 =	vadd.f32 @!p1 v6, v8  }
0xcc: {  	_ =	sdelay $0x2  }
0xcd: {  	p2 =	sgt.u32 s26, $0x270  }
0xce: {  	s24 =	sshra.s32 @!p2 s24, $0x2;
	[tilespmem:v4+s23+$0x0 ss:$0x1] =	vst.idx.msk @!p1 $0xffff, v6  }
0xcf: {  	p1 =	por p2, p2;
	v6 =	vld.idx.msk @!p2 [tilespmem:v1+s24+$0x0 ss:$0x1], $0xffff  }
0xd0: {  	v7 =	vld.idx.msk @!p1 [tilespmem:v2+s24+$0x0 ss:$0x1], $0xffff;
	_ =	sdelay $0x4  }
0xd1: {  	v6 =	vadd.f32 @!p1 v7, v6;
	_ =	sdelay $0x1  }
0xd2: {  	v7 =	vmul.f32 @!p1 $2.000000030e-01, v6;
	_ =	sdelay $0x1  }
0xd3: {  	v6 =	vmax.f32 @!p1 v6, v7  }
0xd4: {  	v6 =	vmul.f32 @!p1 $1.442695020e+00, v6;
	_ =	sdelay $0x1  }
0xd5: {  	(erf) = vpow2.f32 @!p1 v6;
	_ =	sdelay $0x4  }
0xd6: {  	v6 =	vld.idx.msk @!p1 [tilespmem:v3+s24+$0x0 ss:$0x1], $0xffff;
	_ =	sdelay $0x3  }
0xd7: {  	v7 =	vpop @!p2 (erf)  }
0xd8: {  	v6 =	vadd.f32 @!p1 v7, v6;
	_ =	sdelay $0x1  }
0xd9: {  	[tilespmem:v3+s24+$0x0 ss:$0x1] =	vst.idx.msk @!p1 $0xffff, v6  }
0xda: {  	v6 =	vld.idx.msk @!p1 [tilespmem:v5+s24+$0x0 ss:$0x1], $0xffff;
	_ =	sdelay $0x1  }
0xdb: {  	v8 =	vld.idx.msk @!p1 [tilespmem:v4+s24+$0x0 ss:$0x1], $0xffff;
	_ =	sdelay $0x2  }
.Ltmp4:
0xdc: {  	v6 =	vmul.f32 @!p1 v7, v6;
	(pc) =	sbr.rel @p0 .LBB2_9-.Ltmp4, $3  }
0xdd: {  	_ = 	snop  }
0xde: {  	v6 =	vadd.f32 @!p1 v6, v8;
	_ =	sdelay $0x1  }
0xdf: {  	[tilespmem:v4+s24+$0x0 ss:$0x1] =	vst.idx.msk @!p1 $0xffff, v6  }
0xe0: {  	s23 =	simm.s32 $0xC600  }
0xe1: {  	v16 =	vld [tilespmem:s23+$0xFFFFFF90]  }
0xe2: {  	v8 =	vld [tilespmem:s23+$0x50]  }
0xe3: {  	v11 =	vld [tilespmem:s23+$0xFFFFFFC0]  }
0xe4: {  	v6 =	vld [tilespmem:s23+$0x0]  }
0xe5: {  	v7 =	vld [tilespmem:s23+$0x70]  }
0xe6: {  	v9 =	vld [tilespmem:s23+$0x10]  }
0xe7: {  	v17 =	vld [tilespmem:s23+$0xFFFFFFB0]  }
0xe8: {  	v18 =	vld [tilespmem:s23+$0xFFFFFFF0]  }
0xe9: {  	v10 =	vld [tilespmem:s23+$0x60]  }
0xea: {  	v23 =	vld [tilespmem:s23+$0xFFFFFFD0]  }
0xeb: {  	v20 =	vld [tilespmem:s23+$0xFFFFFFE0]  }
0xec: {  	v12 =	vld [tilespmem:s23+$0x40]  }
0xed: {  	v63 =	vld [tilespmem:s23+$0xFFFFFFA0]  }
0xee: {  	v13 =	vld.idx.msk [tilespmem:v16+s2+$0x0], $0xffff  }
0xef: {  	v19 =	vld.idx.msk [tilespmem:v7+s13+$0x0], $0xffff  }
0xf0: {  	v14 =	vld.idx.msk [tilespmem:v9+s13+$0x0], $0xffff  }
0xf1: {  	v21 =	vld.idx.msk [tilespmem:v8+s13+$0x0], $0xffff  }
0xf2: {  	v22 =	vld.idx.msk [tilespmem:v10+s13+$0x0], $0xffff  }
0xf3: {  	v24 =	vld.idx.msk [tilespmem:v18+s2+$0x0], $0xffff  }
0xf4: {  	v25 =	vld.idx.msk [tilespmem:v11+s2+$0x0], $0xffff  }
0xf5: {  	v26 =	vld.idx.msk [tilespmem:v23+s2+$0x0], $0xffff;
	v14 =	vadd.f32 v14, v13  }
0xf6: {  	v15 =	vld.idx.msk [tilespmem:v11+s14+$0x0], $0xffff  }
0xf7: {  	v29 =	vld.idx.msk [tilespmem:v12+s13+$0x0], $0xffff;
	v28 =	vmul.f32 $2.000000030e-01, v14  }
0xf8: {  	v13 =	vld [tilespmem:s23+$0x30]  }
0xf9: {  	v14 =	vmax.f32 v14, v28;
	v28 =	vld [tilespmem:s23+$0xFFFFFF80]  }
0xfa: {  	v11 =	vld [tilespmem:s23+$0x20]  }
0xfb: {  	v31 =	vld.idx.msk [tilespmem:v20+s2+$0x0], $0xffff;
	v21 =	vadd.f32 v21, v26;
	v30 =	vmul.f32 $1.442695020e+00, v14  }
0xfc: {  	v26 =	vld.idx.msk [tilespmem:v16+s14+$0x0], $0xffff;
	v16 =	vadd.f32 v19, v24  }
0xfd: {  	v19 =	vld.idx.msk [tilespmem:v18+s14+$0x0], $0xffff;
	v24 =	vmul.f32 $2.000000030e-01, v21;
	(erf) = vpow2.f32 v30  }
0xfe: {  	v25 =	vadd.f32 v29, v25;
	v29 =	vld.idx.msk [tilespmem:v17+s2+$0x0], $0xffff;
	v18 =	vmul.f32 $2.000000030e-01, v16  }
0xff: {  	v14 =	vld.idx.msk [tilespmem:v17+s14+$0x0], $0xffff;
	v17 =	vmax.f32 v21, v24  }
0x100: {  	v16 =	vmax.f32 v16, v18;
	v18 =	vmul.f32 $1.442695020e+00, v17;
	v32 =	vld.idx.msk [tilespmem:v13+s13+$0x0], $0xffff  }
0x101: {  	v31 =	vadd.f32 v22, v31;
	v21 =	vmul.f32 $2.000000030e-01, v25;
	v33 =	vld.idx.msk [tilespmem:v28+s2+$0x0], $0xffff  }
0x102: {  	(erf) = vpow2.f32 v18;
	v17 =	vld.idx.msk [tilespmem:v28+s14+$0x0], $0xffff;
	v28 =	vmul.f32 $1.442695020e+00, v16  }
0x103: {  	p1 =	sgt.s32 s3, $0x8;
	v27 =	vld.idx.msk [tilespmem:v6+s13+$0x0], $0xffff;
	v24 =	vmul.f32 $2.000000030e-01, v31  }
.Ltmp5:
0x104: {  	v22 =	vld.idx.msk [tilespmem:v11+s13+$0x0], $0xffff;
	v16 =	vmax.f32 v25, v21;
	(erf) = vpow2.f32 v28;
	(pc) =	sbr.rel @!p1 .LBB2_8-.Ltmp5, $4  }
0x105: {  	v21 =	vmax.f32 v31, v24;
	v24 =	vld.idx.msk [tilespmem:v63+s2+$0x0], $0xffff;
	v18 =	vmul.f32 $1.442695020e+00, v16  }
0x106: {  	v20 =	vld.idx.msk [tilespmem:v20+s14+$0x0], $0xffff;
	v28 =	vmul.f32 $1.442695020e+00, v21;
	v25 =	vpop (erf)  }
0x107: {  	v23 =	vld.idx.msk [tilespmem:v23+s14+$0x0], $0xffff;
	(erf) = vpow2.f32 v18;
	v21 =	vmul.f32 v25, v26;
	v26 =	vadd.f32 v32, v29  }
0x108: {  	s24 =	simm.s32 $0xC700;
	s23 =	simm.s32 $0x8;
	v16 =	vld.idx.msk [tilespmem:v63+s14+$0x0], $0xffff;
	v27 =	vadd.f32 v27, v33;
	(erf) = vpow2.f32 v28  }
.LBB2_7:
0x109: {  	v18 =	vld [tilespmem:s24+$0xFFFFFF90];
	s23 =	sadd.s32 $0x8, s23;
	v30 =	vmul.f32 $2.000000030e-01, v26  }
0x10a: {  	v29 =	vmul.f32 $2.000000030e-01, v27;
	p1 =	slt.s32 s23, s3;
	[tilespmem:v9+s18+$0x0] =	vst.idx.add.f32.msk $0xffff, v25  }
0x10b: {  	v25 =	vld [tilespmem:s24+$0x50];
	v26 =	vmax.f32 v26, v30;
	v28 =	vpop (erf)  }
0x10c: {  	v27 =	vmax.f32 v27, v29;
	v26 =	vmul.f32 $1.442695020e+00, v26;
	[tilespmem:v8+s18+$0x0] =	vst.idx.add.f32.msk $0xffff, v28  }
0x10d: {  	v22 =	vadd.f32 v22, v24;
	v27 =	vmul.f32 $1.442695020e+00, v27;
	v29 =	vld [tilespmem:s24+$0xFFFFFFC0];
	v24 =	vpop (erf)  }
0x10e: {  	[tilespmem:v7+s18+$0x0] =	vst.idx.add.f32.msk $0xffff, v24;
	v19 =	vmul.f32 v24, v19;
	(erf) = vpow2.f32 v26  }
0x10f: {  	[tilespmem:v9+s19+$0x0] =	vst.idx.add.f32.msk $0xffff, v21;
	v21 =	vmul.f32 $2.000000030e-01, v22;
	(erf) = vpow2.f32 v27  }
0x110: {  	v23 =	vmul.f32 v28, v23;
	v24 =	vld [tilespmem:s24+$0x0];
	v26 =	vpop (erf)  }
0x111: {  	v9 =	vld [tilespmem:s24+$0x10];
	v21 =	vmax.f32 v22, v21;
	v15 =	vmul.f32 v26, v15;
	v22 =	vpop (erf)  }
0x112: {  	v21 =	vmul.f32 $1.442695020e+00, v21;
	[tilespmem:v8+s19+$0x0] =	vst.idx.add.f32.msk $0xffff, v23;
	v20 =	vmul.f32 v22, v20;
	v8 =	vmov v25  }
0x113: {  	[tilespmem:v12+s18+$0x0] =	vst.idx.add.f32.msk $0xffff, v26  }
0x114: {  	[tilespmem:v10+s18+$0x0] =	vst.idx.add.f32.msk $0xffff, v22;
	(erf) = vpow2.f32 v21  }
0x115: {  	[tilespmem:v12+s19+$0x0] =	vst.idx.add.f32.msk $0xffff, v15  }
0x116: {  	[tilespmem:v10+s19+$0x0] =	vst.idx.add.f32.msk $0xffff, v20  }
0x117: {  	v20 =	vld [tilespmem:s24+$0xFFFFFFB0];
	v10 =	vpop (erf)  }
0x118: {  	[tilespmem:v13+s18+$0x0] =	vst.idx.add.f32.msk $0xffff, v10;
	v12 =	vmul.f32 v10, v14;
	v10 =	vpop (erf)  }
0x119: {  	v21 =	vld [tilespmem:s24+$0xFFFFFFF0];
	v14 =	vmul.f32 v10, v17  }
0x11a: {  	v15 =	vld [tilespmem:s24+$0x70]  }
0x11b: {  	[tilespmem:v6+s18+$0x0] =	vst.idx.add.f32.msk $0xffff, v10  }
0x11c: {  	v10 =	vld [tilespmem:s24+$0x60]  }
0x11d: {  	[tilespmem:v13+s19+$0x0] =	vst.idx.add.f32.msk $0xffff, v12;
	v13 =	vpop (erf)  }
0x11e: {  	v23 =	vld [tilespmem:s24+$0xFFFFFFD0];
	v16 =	vmul.f32 v13, v16  }
0x11f: {  	v17 =	vld.idx.msk [tilespmem:v18+s2+$0x0], $0xffff  }
0x120: {  	v27 =	vld [tilespmem:s24+$0xFFFFFFE0]  }
0x121: {  	[tilespmem:v7+s19+$0x0] =	vst.idx.add.f32.msk $0xffff, v19;
	v7 =	vmov v15  }
0x122: {  	v19 =	vld.idx.msk [tilespmem:v15+s13+$0x0], $0xffff  }
0x123: {  	v12 =	vld [tilespmem:s24+$0x40]  }
0x124: {  	[tilespmem:v6+s19+$0x0] =	vst.idx.add.f32.msk $0xffff, v14;
	v6 =	vmov v24  }
0x125: {  	[tilespmem:v11+s18+$0x0] =	vst.idx.add.f32.msk $0xffff, v13  }
0x126: {  	[tilespmem:v11+s19+$0x0] =	vst.idx.add.f32.msk $0xffff, v16  }
0x127: {  	v11 =	vld.idx.msk [tilespmem:v9+s13+$0x0], $0xffff  }
0x128: {  	v28 =	vld.idx.msk [tilespmem:v24+s13+$0x0], $0xffff  }
0x129: {  	v14 =	vld.idx.msk [tilespmem:v8+s13+$0x0], $0xffff  }
0x12a: {  	v16 =	vld.idx.msk [tilespmem:v10+s13+$0x0], $0xffff  }
0x12b: {  	v22 =	vld.idx.msk [tilespmem:v21+s2+$0x0], $0xffff  }
0x12c: {  	v24 =	vld.idx.msk [tilespmem:v29+s2+$0x0], $0xffff  }
0x12d: {  	v11 =	vadd.f32 v11, v17;
	v17 =	vld.idx.msk [tilespmem:v23+s2+$0x0], $0xffff  }
0x12e: {  	v15 =	vld.idx.msk [tilespmem:v29+s14+$0x0], $0xffff  }
0x12f: {  	v25 =	vmul.f32 $2.000000030e-01, v11;
	v13 =	vld [tilespmem:s24+$0x30]  }
0x130: {  	v26 =	vld.idx.msk [tilespmem:v12+s13+$0x0], $0xffff  }
0x131: {  	v25 =	vmax.f32 v11, v25;
	v19 =	vadd.f32 v19, v22;
	v11 =	vld [tilespmem:s24+$0x20]  }
0x132: {  	v25 =	vmul.f32 $1.442695020e+00, v25;
	v22 =	vld [tilespmem:s24+$0xFFFFFF80]  }
0x133: {  	v17 =	vadd.f32 v14, v17;
	v30 =	vmul.f32 $2.000000030e-01, v19;
	v29 =	vld.idx.msk [tilespmem:v27+s2+$0x0], $0xffff  }
0x134: {  	v14 =	vld.idx.msk [tilespmem:v20+s14+$0x0], $0xffff;
	(erf) = vpow2.f32 v25  }
0x135: {  	v25 =	vmul.f32 $2.000000030e-01, v17;
	v19 =	vmax.f32 v19, v30;
	v31 =	vld [tilespmem:s24+$0xFFFFFFA0]  }
0x136: {  	v24 =	vadd.f32 v26, v24;
	v26 =	vmul.f32 $1.442695020e+00, v19;
	v18 =	vld.idx.msk [tilespmem:v18+s14+$0x0], $0xffff  }
0x137: {  	v17 =	vmax.f32 v17, v25;
	v30 =	vld.idx.msk [tilespmem:v13+s13+$0x0], $0xffff  }
0x138: {  	v17 =	vmul.f32 $1.442695020e+00, v17;
	v19 =	vld.idx.msk [tilespmem:v21+s14+$0x0], $0xffff  }
0x139: {  	v21 =	vmul.f32 $2.000000030e-01, v24;
	v25 =	vadd.f32 v16, v29;
	v20 =	vld.idx.msk [tilespmem:v20+s2+$0x0], $0xffff  }
0x13a: {  	v29 =	vld.idx.msk [tilespmem:v22+s2+$0x0], $0xffff;
	(erf) = vpow2.f32 v17  }
0x13b: {  	v16 =	vmax.f32 v24, v21;
	v21 =	vmul.f32 $2.000000030e-01, v25;
	v17 =	vld.idx.msk [tilespmem:v22+s14+$0x0], $0xffff  }
.Ltmp6:
0x13c: {  	v32 =	vmul.f32 $1.442695020e+00, v16;
	v22 =	vld.idx.msk [tilespmem:v11+s13+$0x0], $0xffff;
	(erf) = vpow2.f32 v26;
	(pc) =	sbr.rel @p1 .LBB2_7-.Ltmp6, $4  }
0x13d: {  	v26 =	vmax.f32 v25, v21;
	v16 =	vld.idx.msk [tilespmem:v31+s14+$0x0], $0xffff;
	v25 =	vpop (erf)  }
0x13e: {  	v21 =	vmul.f32 v25, v18;
	v24 =	vld.idx.msk [tilespmem:v31+s2+$0x0], $0xffff;
	v18 =	vmul.f32 $1.442695020e+00, v26  }
0x13f: {  	v26 =	vadd.f32 v30, v20;
	v20 =	vld.idx.msk [tilespmem:v27+s14+$0x0], $0xffff;
	(erf) = vpow2.f32 v32  }
0x140: {  	s24 =	sadd.s32 $0x100, s24;
	v27 =	vadd.f32 v28, v29;
	v23 =	vld.idx.msk [tilespmem:v23+s14+$0x0], $0xffff;
	(erf) = vpow2.f32 v18  }
.Ltmp7:
0x141: {  	_ = 	snop;
	(pc) =	sbr.rel .LBB2_8-.Ltmp7, $1  }
0x142: {  	_ =	sdelay $0x3  }
.LBB2_10:
0x143: {  	_ =	sfence.sel $0x180000  }
0x144: {  	[bflag:$0x0] =	sbarrier.arrive $0xFFFF  }
0x145: {  	p0 =	sne.s32 s0, $0x0;
	_ =	strace $0x90000047  }
0x146: {  	s0 =	sadd.s32 @!p0 $0x100000, s1;
	[bflag:$0x2] =	sbarrier.arrive $0xFFFF  }
0x147: {  	[sflag:s0] =	ssyncadd.tile.s32 @!p0 $0x1;
	_ =	shalt  }
.Lfunc_end2:
_tile_overlayer_lowered:
.L_overlay_start_2:
0x148: {  	(tag) =	ssettag $0x2  }
0x149: {  	s0 =	rddreg [dreg:$0x0];
	s2 =	stileid.u32  }
0x14a: {  	s1 =	rddreg [dreg:$0x1];
	p0 =	sne.s32 s2, $0x0  }
0x14b: {  	s3 =	rddreg [dreg:$0x2];
	[bflag:$0x3] =	sbarrier.arrive $0xFFFF;
	s2 =	simm.s32 @!p0 $0x1C04  }
0x14c: {  	[timem:s3], [sflag:s2] =	dma.local @!p0 [hbm:s0], s1  }
0x14d: {  	s0 =	simm.s32 @!p0 $0x4  }
0x14e: {  	_ =	swait.ge @!p0 [sflag:s0], s1  }
0x14f: {  	s1 =	ssub.s32 @!p0 $0x0, s1;
	[sflag:s0] =	ssyncset.done @!p0 $0x0  }
0x150: {  	[sflag:s0] =	ssyncadd.s32 @!p0 s1  }
0x151: {  	[bflag:$0x3] =	sbarrier.arrive $0xFFFF  }
0x152: {  	_ =	shalt  }

</sc_bundles>
